<compile_context>
chip_gen: v7x
topology: tpu7x:2x2x1
jax: 0.10.2.dev20260603
libtpu: 0.0.44.dev20260713+nightly
codegen_flags: <defaults>
</compile_context>

<pallas_src>
import functools

import jax
import jax.numpy as jnp
from jax import lax
from jax.experimental import pallas as pl
from jax.experimental.pallas import tpu as pltpu
from jax.experimental.pallas import tpu_sc as plsc

BATCH = 16384
HIST = 50
DIM = 64
TOTAL = BATCH * HIST

NUM_CORES = 2
NUM_SUBCORES = 16
NUM_WORKERS = NUM_CORES * NUM_SUBCORES
ROWS_PER_WORKER = TOTAL // NUM_WORKERS
CHUNK = 128
NUM_CHUNKS = ROWS_PER_WORKER // CHUNK
NBUF = 8
LAG = 6


def _make_kernel():
    mesh = plsc.VectorSubcoreMesh(
        core_axis_name="c", subcore_axis_name="s", num_cores=NUM_CORES
    )

    @functools.partial(
        pl.kernel,
        mesh=mesh,
        out_type=jax.ShapeDtypeStruct((TOTAL, DIM), jnp.float32),
        scratch_types=(
            [pltpu.VMEM((ROWS_PER_WORKER,), jnp.int32)]
            + [pltpu.VMEM((CHUNK, DIM), jnp.float32)] * NBUF
            + [pltpu.SemaphoreType.DMA] * (2 * NBUF)
        ),
        compiler_params=pltpu.CompilerParams(use_tc_tiling_on_sc=False),
    )
    def lookup(ids_hbm, table_hbm, out_hbm, idx_v, *rest):
        bufs = rest[:NBUF]
        gsem = rest[NBUF : 2 * NBUF]
        ssem = rest[2 * NBUF :]

        wid = lax.axis_index("s") * NUM_CORES + lax.axis_index("c")
        base = wid * ROWS_PER_WORKER
        pltpu.sync_copy(ids_hbm.at[pl.ds(base, ROWS_PER_WORKER)], idx_v)

        def idx_slice(t):
            return idx_v.at[pl.ds(t * CHUNK, CHUNK)]

        def start_gather(t, b):
            pltpu.async_copy(table_hbm.at[idx_slice(t)], bufs[b], gsem[b])

        def wait_gather(t, b):
            pltpu.make_async_copy(
                table_hbm.at[idx_slice(t)], bufs[b], gsem[b]
            ).wait()

        def start_store(t, b):
            pltpu.async_copy(
                bufs[b], out_hbm.at[pl.ds(base + t * CHUNK, CHUNK)], ssem[b]
            )

        def drain_store(b):
            pltpu.make_async_copy(
                out_hbm.at[pl.ds(base, CHUNK)], bufs[b], ssem[b]
            ).wait()

        for t in range(LAG):
            start_gather(t, t)
        for t in range(LAG, NBUF):
            wait_gather(t - LAG, t - LAG)
            start_store(t - LAG, t - LAG)
            start_gather(t, t)

        def group(g, carry):
            for b in range(NBUF):
                t = g * NBUF + b
                drain_store(b)
                start_gather(t, b)
                b2 = (b + NBUF - LAG) % NBUF
                wait_gather(t - LAG, b2)
                start_store(t - LAG, b2)
            return carry

        lax.fori_loop(1, NUM_CHUNKS // NBUF, group, 0)

        for t in range(NUM_CHUNKS, NUM_CHUNKS + LAG):
            t2 = t - LAG
            wait_gather(t2, t2 % NBUF)
            start_store(t2, t2 % NBUF)
        for b in range(NBUF):
            drain_store(b)

    return lookup


_lookup = _make_kernel()


@jax.jit
def kernel(token_ids, embedding_weights):
    flat_ids = token_ids.reshape(TOTAL)
    out = _lookup(flat_ids, embedding_weights)
    return out.reshape(BATCH, HIST, DIM)

# --- scband reference (transcript-rebuilt; emitter-appended) ---
"""Pipeline reference for scband-embedding-33243046871676 (READ-ONLY COPY).

The authoritative reference and input builder live on the scoring server;
editing this copy changes nothing except your own understanding.
"""

import jax, jax.numpy as jnp
import numpy as np

NUM_EMBEDDINGS = 1000000
EMBEDDING_DIM = 64
BATCH = 16384
HIST = 50

def _trunc_normal(key, shape, mean=0.0, std=1.0, a=-3.0, b=3.0):
    u = jax.random.truncated_normal(key, a, b, shape, dtype=jnp.float32)
    return u * std + mean

def setup_inputs(seed: int = 0) -> dict:
    key = jax.random.key(seed)
    k1, k2 = jax.random.split(key)
    token_ids = jax.random.randint(k1, (BATCH, HIST), 0, NUM_EMBEDDINGS, dtype=jnp.int64 if jax.config.read('jax_enable_x64') else jnp.int32)
    embedding_weights = _trunc_normal(k2, (NUM_EMBEDDINGS, EMBEDDING_DIM))
    return {"token_ids": token_ids, "embedding_weights": embedding_weights}

def reference(token_ids, embedding_weights):
    # faithful translation: weights[token_ids]
    return jnp.take(embedding_weights, token_ids, axis=0)

if __name__ == "__main__":
    import jax
    _d = setup_inputs()
    print(jax.jit(kernel)(*tuple(_d.values())))

</pallas_src>

<mosaic_0001>
#map = affine_map<(d0, d1) -> (0)>
#map1 = affine_map<(d0, d1) -> (0, 0)>
module attributes {stable_mosaic.version = 14 : i64} {
  func.func @lookup(%arg0: i32, %arg1: i32, %arg2: memref<819200xi32, #tpu.memory_space<hbm>>, %arg3: memref<1000000x64xf32, #tpu.memory_space<hbm>>, %arg4: memref<819200x64xf32, #tpu.memory_space<hbm>>, %arg5: memref<25600xi32, #tpu.memory_space<vmem>>, %arg6: memref<128x64xf32, #tpu.memory_space<vmem>>, %arg7: memref<128x64xf32, #tpu.memory_space<vmem>>, %arg8: memref<128x64xf32, #tpu.memory_space<vmem>>, %arg9: memref<128x64xf32, #tpu.memory_space<vmem>>, %arg10: memref<128x64xf32, #tpu.memory_space<vmem>>, %arg11: memref<128x64xf32, #tpu.memory_space<vmem>>, %arg12: memref<128x64xf32, #tpu.memory_space<vmem>>, %arg13: memref<128x64xf32, #tpu.memory_space<vmem>>, %arg14: memref<!tpu.dma_semaphore, #tpu.memory_space<semaphore_mem>>, %arg15: memref<!tpu.dma_semaphore, #tpu.memory_space<semaphore_mem>>, %arg16: memref<!tpu.dma_semaphore, #tpu.memory_space<semaphore_mem>>, %arg17: memref<!tpu.dma_semaphore, #tpu.memory_space<semaphore_mem>>, %arg18: memref<!tpu.dma_semaphore, #tpu.memory_space<semaphore_mem>>, %arg19: memref<!tpu.dma_semaphore, #tpu.memory_space<semaphore_mem>>, %arg20: memref<!tpu.dma_semaphore, #tpu.memory_space<semaphore_mem>>, %arg21: memref<!tpu.dma_semaphore, #tpu.memory_space<semaphore_mem>>, %arg22: memref<!tpu.dma_semaphore, #tpu.memory_space<semaphore_mem>>, %arg23: memref<!tpu.dma_semaphore, #tpu.memory_space<semaphore_mem>>, %arg24: memref<!tpu.dma_semaphore, #tpu.memory_space<semaphore_mem>>, %arg25: memref<!tpu.dma_semaphore, #tpu.memory_space<semaphore_mem>>, %arg26: memref<!tpu.dma_semaphore, #tpu.memory_space<semaphore_mem>>, %arg27: memref<!tpu.dma_semaphore, #tpu.memory_space<semaphore_mem>>, %arg28: memref<!tpu.dma_semaphore, #tpu.memory_space<semaphore_mem>>, %arg29: memref<!tpu.dma_semaphore, #tpu.memory_space<semaphore_mem>>) attributes {dimension_semantics = [#tpu.dimension_semantics<core_parallel>, #tpu.dimension_semantics<subcore_parallel>], iteration_bounds = array<i64: 2, 16>, scalar_prefetch = 0 : i64, scratch_operands = 25 : i64, tpu.core_type = #tpu.core_type<sc_vector_subcore>, window_params = [{transform_indices = #map}, {transform_indices = #map1}, {transform_indices = #map1}]} {
    %mul3A = arith.constant 2 : i32
    %mul3A_0 = arith.muli %arg1, %mul3A : i32
    %add3A = arith.addi %mul3A_0, %arg0 : i32
    %mul3A_1 = arith.constant 25600 : i32
    %mul3A_2 = arith.muli %add3A, %mul3A_1 : i32
    "tpu.region"() ({
      %run_scoped3A = tpu.sem_alloc : memref<!tpu.dma_semaphore, #tpu.memory_space<semaphore_mem>>
      %dma_start3A_166 = tpu.memref_slice %arg2[%mul3A_2] : memref<819200xi32, #tpu.memory_space<hbm>> -> memref<25600xi32, #tpu.memory_space<hbm>>
      %dma_start3A_167 = tpu.memref_slice %arg2[%mul3A_2] : memref<819200xi32, #tpu.memory_space<hbm>> -> memref<25600xi32, #tpu.memory_space<hbm>>
      tpu.enqueue_dma source(%dma_start3A_167 : memref<25600xi32, #tpu.memory_space<hbm>>) target(%arg5 : memref<25600xi32, #tpu.memory_space<vmem>>) target_semaphore(%run_scoped3A : memref<!tpu.dma_semaphore, #tpu.memory_space<semaphore_mem>>)
      %dma_wait3A_168 = tpu.memref_slice %arg2[%mul3A_2] : memref<819200xi32, #tpu.memory_space<hbm>> -> memref<25600xi32, #tpu.memory_space<hbm>>
      %dma_wait3A_169 = tpu.memref_slice %arg2[%mul3A_2] : memref<819200xi32, #tpu.memory_space<hbm>> -> memref<25600xi32, #tpu.memory_space<hbm>>
      tpu.wait_dma2 semaphore(%run_scoped3A : memref<!tpu.dma_semaphore, #tpu.memory_space<semaphore_mem>>) src(%dma_wait3A_169 : memref<25600xi32, #tpu.memory_space<hbm>>) dst(%arg5 : memref<25600xi32, #tpu.memory_space<vmem>>)
      tpu.yield
    }) : () -> ()
    %dma_start3A = arith.constant 0 : i32
    %dma_start3A_3 = tpu.memref_slice %arg5[%dma_start3A] : memref<25600xi32, #tpu.memory_space<vmem>> -> memref<128xi32, #tpu.memory_space<vmem>>
    %dma_start3A_4 = arith.constant 0 : i32
    %dma_start3A_5 = arith.constant 0 : i32
    %dma_start3A_6 = tpu.memref_slice %arg3[%dma_start3A_4, %dma_start3A_5] : memref<1000000x64xf32, #tpu.memory_space<hbm>> -> memref<1000000x64xf32, #tpu.memory_space<hbm>>
    tpu.enqueue_indirect_dma source(%dma_start3A_6 : memref<1000000x64xf32, #tpu.memory_space<hbm>>) target(%arg6 : memref<128x64xf32, #tpu.memory_space<vmem>>) offsets(%dma_start3A_3 : memref<128xi32, #tpu.memory_space<vmem>>) semaphore(%arg14 : memref<!tpu.dma_semaphore, #tpu.memory_space<semaphore_mem>>)
    %dma_start3A_7 = arith.constant 128 : i32
    %dma_start3A_8 = tpu.memref_slice %arg5[%dma_start3A_7] : memref<25600xi32, #tpu.memory_space<vmem>> -> memref<128xi32, #tpu.memory_space<vmem>>
    %dma_start3A_9 = arith.constant 0 : i32
    %dma_start3A_10 = arith.constant 0 : i32
    %dma_start3A_11 = tpu.memref_slice %arg3[%dma_start3A_9, %dma_start3A_10] : memref<1000000x64xf32, #tpu.memory_space<hbm>> -> memref<1000000x64xf32, #tpu.memory_space<hbm>>
    tpu.enqueue_indirect_dma source(%dma_start3A_11 : memref<1000000x64xf32, #tpu.memory_space<hbm>>) target(%arg7 : memref<128x64xf32, #tpu.memory_space<vmem>>) offsets(%dma_start3A_8 : memref<128xi32, #tpu.memory_space<vmem>>) semaphore(%arg15 : memref<!tpu.dma_semaphore, #tpu.memory_space<semaphore_mem>>)
    %dma_start3A_12 = arith.constant 256 : i32
    %dma_start3A_13 = tpu.memref_slice %arg5[%dma_start3A_12] : memref<25600xi32, #tpu.memory_space<vmem>> -> memref<128xi32, #tpu.memory_space<vmem>>
    %dma_start3A_14 = arith.constant 0 : i32
    %dma_start3A_15 = arith.constant 0 : i32
    %dma_start3A_16 = tpu.memref_slice %arg3[%dma_start3A_14, %dma_start3A_15] : memref<1000000x64xf32, #tpu.memory_space<hbm>> -> memref<1000000x64xf32, #tpu.memory_space<hbm>>
    tpu.enqueue_indirect_dma source(%dma_start3A_16 : memref<1000000x64xf32, #tpu.memory_space<hbm>>) target(%arg8 : memref<128x64xf32, #tpu.memory_space<vmem>>) offsets(%dma_start3A_13 : memref<128xi32, #tpu.memory_space<vmem>>) semaphore(%arg16 : memref<!tpu.dma_semaphore, #tpu.memory_space<semaphore_mem>>)
    %dma_start3A_17 = arith.constant 384 : i32
    %dma_start3A_18 = tpu.memref_slice %arg5[%dma_start3A_17] : memref<25600xi32, #tpu.memory_space<vmem>> -> memref<128xi32, #tpu.memory_space<vmem>>
    %dma_start3A_19 = arith.constant 0 : i32
    %dma_start3A_20 = arith.constant 0 : i32
    %dma_start3A_21 = tpu.memref_slice %arg3[%dma_start3A_19, %dma_start3A_20] : memref<1000000x64xf32, #tpu.memory_space<hbm>> -> memref<1000000x64xf32, #tpu.memory_space<hbm>>
    tpu.enqueue_indirect_dma source(%dma_start3A_21 : memref<1000000x64xf32, #tpu.memory_space<hbm>>) target(%arg9 : memref<128x64xf32, #tpu.memory_space<vmem>>) offsets(%dma_start3A_18 : memref<128xi32, #tpu.memory_space<vmem>>) semaphore(%arg17 : memref<!tpu.dma_semaphore, #tpu.memory_space<semaphore_mem>>)
    %dma_start3A_22 = arith.constant 512 : i32
    %dma_start3A_23 = tpu.memref_slice %arg5[%dma_start3A_22] : memref<25600xi32, #tpu.memory_space<vmem>> -> memref<128xi32, #tpu.memory_space<vmem>>
    %dma_start3A_24 = arith.constant 0 : i32
    %dma_start3A_25 = arith.constant 0 : i32
    %dma_start3A_26 = tpu.memref_slice %arg3[%dma_start3A_24, %dma_start3A_25] : memref<1000000x64xf32, #tpu.memory_space<hbm>> -> memref<1000000x64xf32, #tpu.memory_space<hbm>>
    tpu.enqueue_indirect_dma source(%dma_start3A_26 : memref<1000000x64xf32, #tpu.memory_space<hbm>>) target(%arg10 : memref<128x64xf32, #tpu.memory_space<vmem>>) offsets(%dma_start3A_23 : memref<128xi32, #tpu.memory_space<vmem>>) semaphore(%arg18 : memref<!tpu.dma_semaphore, #tpu.memory_space<semaphore_mem>>)
    %dma_start3A_27 = arith.constant 640 : i32
    %dma_start3A_28 = tpu.memref_slice %arg5[%dma_start3A_27] : memref<25600xi32, #tpu.memory_space<vmem>> -> memref<128xi32, #tpu.memory_space<vmem>>
    %dma_start3A_29 = arith.constant 0 : i32
    %dma_start3A_30 = arith.constant 0 : i32
    %dma_start3A_31 = tpu.memref_slice %arg3[%dma_start3A_29, %dma_start3A_30] : memref<1000000x64xf32, #tpu.memory_space<hbm>> -> memref<1000000x64xf32, #tpu.memory_space<hbm>>
    tpu.enqueue_indirect_dma source(%dma_start3A_31 : memref<1000000x64xf32, #tpu.memory_space<hbm>>) target(%arg11 : memref<128x64xf32, #tpu.memory_space<vmem>>) offsets(%dma_start3A_28 : memref<128xi32, #tpu.memory_space<vmem>>) semaphore(%arg19 : memref<!tpu.dma_semaphore, #tpu.memory_space<semaphore_mem>>)
    %dma_wait3A = arith.constant 0 : i32
    %dma_wait3A_32 = tpu.memref_slice %arg5[%dma_wait3A] : memref<25600xi32, #tpu.memory_space<vmem>> -> memref<128xi32, #tpu.memory_space<vmem>>
    %dma_wait3A_33 = arith.constant 0 : i32
    %dma_wait3A_34 = arith.constant 0 : i32
    %dma_wait3A_35 = tpu.memref_slice %arg3[%dma_wait3A_33, %dma_wait3A_34] : memref<1000000x64xf32, #tpu.memory_space<hbm>> -> memref<1000000x64xf32, #tpu.memory_space<hbm>>
    tpu.wait_indirect_dma semaphore(%arg14 : memref<!tpu.dma_semaphore, #tpu.memory_space<semaphore_mem>>) src(%dma_wait3A_35 : memref<1000000x64xf32, #tpu.memory_space<hbm>>) dst(%arg6 : memref<128x64xf32, #tpu.memory_space<vmem>>)
    %add3A_36 = arith.constant 0 : i32
    %add3A_37 = arith.addi %mul3A_2, %add3A_36 : i32
    %dma_start3A_38 = arith.constant 0 : i32
    %dma_start3A_39 = tpu.memref_slice %arg4[%add3A_37, %dma_start3A_38] : memref<819200x64xf32, #tpu.memory_space<hbm>> -> memref<128x64xf32, #tpu.memory_space<hbm>>
    %dma_start3A_40 = arith.constant 0 : i32
    %dma_start3A_41 = tpu.memref_slice %arg4[%add3A_37, %dma_start3A_40] : memref<819200x64xf32, #tpu.memory_space<hbm>> -> memref<128x64xf32, #tpu.memory_space<hbm>>
    tpu.enqueue_dma source(%arg6 : memref<128x64xf32, #tpu.memory_space<vmem>>) target(%dma_start3A_41 : memref<128x64xf32, #tpu.memory_space<hbm>>) target_semaphore(%arg22 : memref<!tpu.dma_semaphore, #tpu.memory_space<semaphore_mem>>)
    %dma_start3A_42 = arith.constant 768 : i32
    %dma_start3A_43 = tpu.memref_slice %arg5[%dma_start3A_42] : memref<25600xi32, #tpu.memory_space<vmem>> -> memref<128xi32, #tpu.memory_space<vmem>>
    %dma_start3A_44 = arith.constant 0 : i32
    %dma_start3A_45 = arith.constant 0 : i32
    %dma_start3A_46 = tpu.memref_slice %arg3[%dma_start3A_44, %dma_start3A_45] : memref<1000000x64xf32, #tpu.memory_space<hbm>> -> memref<1000000x64xf32, #tpu.memory_space<hbm>>
    tpu.enqueue_indirect_dma source(%dma_start3A_46 : memref<1000000x64xf32, #tpu.memory_space<hbm>>) target(%arg12 : memref<128x64xf32, #tpu.memory_space<vmem>>) offsets(%dma_start3A_43 : memref<128xi32, #tpu.memory_space<vmem>>) semaphore(%arg20 : memref<!tpu.dma_semaphore, #tpu.memory_space<semaphore_mem>>)
    %dma_wait3A_47 = arith.constant 128 : i32
    %dma_wait3A_48 = tpu.memref_slice %arg5[%dma_wait3A_47] : memref<25600xi32, #tpu.memory_space<vmem>> -> memref<128xi32, #tpu.memory_space<vmem>>
    %dma_wait3A_49 = arith.constant 0 : i32
    %dma_wait3A_50 = arith.constant 0 : i32
    %dma_wait3A_51 = tpu.memref_slice %arg3[%dma_wait3A_49, %dma_wait3A_50] : memref<1000000x64xf32, #tpu.memory_space<hbm>> -> memref<1000000x64xf32, #tpu.memory_space<hbm>>
    tpu.wait_indirect_dma semaphore(%arg15 : memref<!tpu.dma_semaphore, #tpu.memory_space<semaphore_mem>>) src(%dma_wait3A_51 : memref<1000000x64xf32, #tpu.memory_space<hbm>>) dst(%arg7 : memref<128x64xf32, #tpu.memory_space<vmem>>)
    %add3A_52 = arith.constant 128 : i32
    %add3A_53 = arith.addi %mul3A_2, %add3A_52 : i32
    %dma_start3A_54 = arith.constant 0 : i32
    %dma_start3A_55 = tpu.memref_slice %arg4[%add3A_53, %dma_start3A_54] : memref<819200x64xf32, #tpu.memory_space<hbm>> -> memref<128x64xf32, #tpu.memory_space<hbm>>
    %dma_start3A_56 = arith.constant 0 : i32
    %dma_start3A_57 = tpu.memref_slice %arg4[%add3A_53, %dma_start3A_56] : memref<819200x64xf32, #tpu.memory_space<hbm>> -> memref<128x64xf32, #tpu.memory_space<hbm>>
    tpu.enqueue_dma source(%arg7 : memref<128x64xf32, #tpu.memory_space<vmem>>) target(%dma_start3A_57 : memref<128x64xf32, #tpu.memory_space<hbm>>) target_semaphore(%arg23 : memref<!tpu.dma_semaphore, #tpu.memory_space<semaphore_mem>>)
    %dma_start3A_58 = arith.constant 896 : i32
    %dma_start3A_59 = tpu.memref_slice %arg5[%dma_start3A_58] : memref<25600xi32, #tpu.memory_space<vmem>> -> memref<128xi32, #tpu.memory_space<vmem>>
    %dma_start3A_60 = arith.constant 0 : i32
    %dma_start3A_61 = arith.constant 0 : i32
    %dma_start3A_62 = tpu.memref_slice %arg3[%dma_start3A_60, %dma_start3A_61] : memref<1000000x64xf32, #tpu.memory_space<hbm>> -> memref<1000000x64xf32, #tpu.memory_space<hbm>>
    tpu.enqueue_indirect_dma source(%dma_start3A_62 : memref<1000000x64xf32, #tpu.memory_space<hbm>>) target(%arg13 : memref<128x64xf32, #tpu.memory_space<vmem>>) offsets(%dma_start3A_59 : memref<128xi32, #tpu.memory_space<vmem>>) semaphore(%arg21 : memref<!tpu.dma_semaphore, #tpu.memory_space<semaphore_mem>>)
    %scan3A = arith.constant 0 : i32
    %scan3A_63 = arith.constant 1 : i32
    %scan3A_64 = arith.constant 24 : i32
    %scan3A_65 = arith.addi %scan3A_63, %scan3A_64 : i32
    %scan3A_66 = arith.constant 1 : i32
    scf.for %scan3A_166 = %scan3A_63 to %scan3A_65 step %scan3A_66  : i32 {
      %mul3A_167 = arith.constant 8 : i32
      %mul3A_168 = arith.muli %scan3A_166, %mul3A_167 : i32
      %add3A_169 = arith.constant 0 : i32
      %add3A_170 = arith.addi %mul3A_168, %add3A_169 : i32
      %dma_wait3A_171 = arith.constant 0 : i32
      %dma_wait3A_172 = tpu.memref_slice %arg4[%mul3A_2, %dma_wait3A_171] : memref<819200x64xf32, #tpu.memory_space<hbm>> -> memref<128x64xf32, #tpu.memory_space<hbm>>
      %dma_wait3A_173 = arith.constant 0 : i32
      %dma_wait3A_174 = tpu.memref_slice %arg4[%mul3A_2, %dma_wait3A_173] : memref<819200x64xf32, #tpu.memory_space<hbm>> -> memref<128x64xf32, #tpu.memory_space<hbm>>
      tpu.wait_dma2 semaphore(%arg22 : memref<!tpu.dma_semaphore, #tpu.memory_space<semaphore_mem>>) src(%dma_wait3A_174 : memref<128x64xf32, #tpu.memory_space<hbm>>) dst(%arg6 : memref<128x64xf32, #tpu.memory_space<vmem>>)
      %mul3A_175 = arith.constant 128 : i32
      %mul3A_176 = arith.muli %add3A_170, %mul3A_175 : i32
      %dma_start3A_177 = tpu.memref_slice %arg5[%mul3A_176] : memref<25600xi32, #tpu.memory_space<vmem>> -> memref<128xi32, #tpu.memory_space<vmem>>
      %dma_start3A_178 = arith.constant 0 : i32
      %dma_start3A_179 = arith.constant 0 : i32
      %dma_start3A_180 = tpu.memref_slice %arg3[%dma_start3A_178, %dma_start3A_179] : memref<1000000x64xf32, #tpu.memory_space<hbm>> -> memref<1000000x64xf32, #tpu.memory_space<hbm>>
      tpu.enqueue_indirect_dma source(%dma_start3A_180 : memref<1000000x64xf32, #tpu.memory_space<hbm>>) target(%arg6 : memref<128x64xf32, #tpu.memory_space<vmem>>) offsets(%dma_start3A_177 : memref<128xi32, #tpu.memory_space<vmem>>) semaphore(%arg14 : memref<!tpu.dma_semaphore, #tpu.memory_space<semaphore_mem>>)
      %sub3A = arith.constant 6 : i32
      %sub3A_181 = arith.subi %add3A_170, %sub3A : i32
      %mul3A_182 = arith.constant 128 : i32
      %mul3A_183 = arith.muli %sub3A_181, %mul3A_182 : i32
      %dma_wait3A_184 = tpu.memref_slice %arg5[%mul3A_183] : memref<25600xi32, #tpu.memory_space<vmem>> -> memref<128xi32, #tpu.memory_space<vmem>>
      %dma_wait3A_185 = arith.constant 0 : i32
      %dma_wait3A_186 = arith.constant 0 : i32
      %dma_wait3A_187 = tpu.memref_slice %arg3[%dma_wait3A_185, %dma_wait3A_186] : memref<1000000x64xf32, #tpu.memory_space<hbm>> -> memref<1000000x64xf32, #tpu.memory_space<hbm>>
      tpu.wait_indirect_dma semaphore(%arg16 : memref<!tpu.dma_semaphore, #tpu.memory_space<semaphore_mem>>) src(%dma_wait3A_187 : memref<1000000x64xf32, #tpu.memory_space<hbm>>) dst(%arg8 : memref<128x64xf32, #tpu.memory_space<vmem>>)
      %sub3A_188 = arith.constant 6 : i32
      %sub3A_189 = arith.subi %add3A_170, %sub3A_188 : i32
      %mul3A_190 = arith.constant 128 : i32
      %mul3A_191 = arith.muli %sub3A_189, %mul3A_190 : i32
      %add3A_192 = arith.addi %mul3A_2, %mul3A_191 : i32
      %dma_start3A_193 = arith.constant 0 : i32
      %dma_start3A_194 = tpu.memref_slice %arg4[%add3A_192, %dma_start3A_193] : memref<819200x64xf32, #tpu.memory_space<hbm>> -> memref<128x64xf32, #tpu.memory_space<hbm>>
      %dma_start3A_195 = arith.constant 0 : i32
      %dma_start3A_196 = tpu.memref_slice %arg4[%add3A_192, %dma_start3A_195] : memref<819200x64xf32, #tpu.memory_space<hbm>> -> memref<128x64xf32, #tpu.memory_space<hbm>>
      tpu.enqueue_dma source(%arg8 : memref<128x64xf32, #tpu.memory_space<vmem>>) target(%dma_start3A_196 : memref<128x64xf32, #tpu.memory_space<hbm>>) target_semaphore(%arg24 : memref<!tpu.dma_semaphore, #tpu.memory_space<semaphore_mem>>)
      %mul3A_197 = arith.constant 8 : i32
      %mul3A_198 = arith.muli %scan3A_166, %mul3A_197 : i32
      %add3A_199 = arith.constant 1 : i32
      %add3A_200 = arith.addi %mul3A_198, %add3A_199 : i32
      %dma_wait3A_201 = arith.constant 0 : i32
      %dma_wait3A_202 = tpu.memref_slice %arg4[%mul3A_2, %dma_wait3A_201] : memref<819200x64xf32, #tpu.memory_space<hbm>> -> memref<128x64xf32, #tpu.memory_space<hbm>>
      %dma_wait3A_203 = arith.constant 0 : i32
      %dma_wait3A_204 = tpu.memref_slice %arg4[%mul3A_2, %dma_wait3A_203] : memref<819200x64xf32, #tpu.memory_space<hbm>> -> memref<128x64xf32, #tpu.memory_space<hbm>>
      tpu.wait_dma2 semaphore(%arg23 : memref<!tpu.dma_semaphore, #tpu.memory_space<semaphore_mem>>) src(%dma_wait3A_204 : memref<128x64xf32, #tpu.memory_space<hbm>>) dst(%arg7 : memref<128x64xf32, #tpu.memory_space<vmem>>)
      %mul3A_205 = arith.constant 128 : i32
      %mul3A_206 = arith.muli %add3A_200, %mul3A_205 : i32
      %dma_start3A_207 = tpu.memref_slice %arg5[%mul3A_206] : memref<25600xi32, #tpu.memory_space<vmem>> -> memref<128xi32, #tpu.memory_space<vmem>>
      %dma_start3A_208 = arith.constant 0 : i32
      %dma_start3A_209 = arith.constant 0 : i32
      %dma_start3A_210 = tpu.memref_slice %arg3[%dma_start3A_208, %dma_start3A_209] : memref<1000000x64xf32, #tpu.memory_space<hbm>> -> memref<1000000x64xf32, #tpu.memory_space<hbm>>
      tpu.enqueue_indirect_dma source(%dma_start3A_210 : memref<1000000x64xf32, #tpu.memory_space<hbm>>) target(%arg7 : memref<128x64xf32, #tpu.memory_space<vmem>>) offsets(%dma_start3A_207 : memref<128xi32, #tpu.memory_space<vmem>>) semaphore(%arg15 : memref<!tpu.dma_semaphore, #tpu.memory_space<semaphore_mem>>)
      %sub3A_211 = arith.constant 6 : i32
      %sub3A_212 = arith.subi %add3A_200, %sub3A_211 : i32
      %mul3A_213 = arith.constant 128 : i32
      %mul3A_214 = arith.muli %sub3A_212, %mul3A_213 : i32
      %dma_wait3A_215 = tpu.memref_slice %arg5[%mul3A_214] : memref<25600xi32, #tpu.memory_space<vmem>> -> memref<128xi32, #tpu.memory_space<vmem>>
      %dma_wait3A_216 = arith.constant 0 : i32
      %dma_wait3A_217 = arith.constant 0 : i32
      %dma_wait3A_218 = tpu.memref_slice %arg3[%dma_wait3A_216, %dma_wait3A_217] : memref<1000000x64xf32, #tpu.memory_space<hbm>> -> memref<1000000x64xf32, #tpu.memory_space<hbm>>
      tpu.wait_indirect_dma semaphore(%arg17 : memref<!tpu.dma_semaphore, #tpu.memory_space<semaphore_mem>>) src(%dma_wait3A_218 : memref<1000000x64xf32, #tpu.memory_space<hbm>>) dst(%arg9 : memref<128x64xf32, #tpu.memory_space<vmem>>)
      %sub3A_219 = arith.constant 6 : i32
      %sub3A_220 = arith.subi %add3A_200, %sub3A_219 : i32
      %mul3A_221 = arith.constant 128 : i32
      %mul3A_222 = arith.muli %sub3A_220, %mul3A_221 : i32
      %add3A_223 = arith.addi %mul3A_2, %mul3A_222 : i32
      %dma_start3A_224 = arith.constant 0 : i32
      %dma_start3A_225 = tpu.memref_slice %arg4[%add3A_223, %dma_start3A_224] : memref<819200x64xf32, #tpu.memory_space<hbm>> -> memref<128x64xf32, #tpu.memory_space<hbm>>
      %dma_start3A_226 = arith.constant 0 : i32
      %dma_start3A_227 = tpu.memref_slice %arg4[%add3A_223, %dma_start3A_226] : memref<819200x64xf32, #tpu.memory_space<hbm>> -> memref<128x64xf32, #tpu.memory_space<hbm>>
      tpu.enqueue_dma source(%arg9 : memref<128x64xf32, #tpu.memory_space<vmem>>) target(%dma_start3A_227 : memref<128x64xf32, #tpu.memory_space<hbm>>) target_semaphore(%arg25 : memref<!tpu.dma_semaphore, #tpu.memory_space<semaphore_mem>>)
      %mul3A_228 = arith.constant 8 : i32
      %mul3A_229 = arith.muli %scan3A_166, %mul3A_228 : i32
      %add3A_230 = arith.constant 2 : i32
      %add3A_231 = arith.addi %mul3A_229, %add3A_230 : i32
      %dma_wait3A_232 = arith.constant 0 : i32
      %dma_wait3A_233 = tpu.memref_slice %arg4[%mul3A_2, %dma_wait3A_232] : memref<819200x64xf32, #tpu.memory_space<hbm>> -> memref<128x64xf32, #tpu.memory_space<hbm>>
      %dma_wait3A_234 = arith.constant 0 : i32
      %dma_wait3A_235 = tpu.memref_slice %arg4[%mul3A_2, %dma_wait3A_234] : memref<819200x64xf32, #tpu.memory_space<hbm>> -> memref<128x64xf32, #tpu.memory_space<hbm>>
      tpu.wait_dma2 semaphore(%arg24 : memref<!tpu.dma_semaphore, #tpu.memory_space<semaphore_mem>>) src(%dma_wait3A_235 : memref<128x64xf32, #tpu.memory_space<hbm>>) dst(%arg8 : memref<128x64xf32, #tpu.memory_space<vmem>>)
      %mul3A_236 = arith.constant 128 : i32
      %mul3A_237 = arith.muli %add3A_231, %mul3A_236 : i32
      %dma_start3A_238 = tpu.memref_slice %arg5[%mul3A_237] : memref<25600xi32, #tpu.memory_space<vmem>> -> memref<128xi32, #tpu.memory_space<vmem>>
      %dma_start3A_239 = arith.constant 0 : i32
      %dma_start3A_240 = arith.constant 0 : i32
      %dma_start3A_241 = tpu.memref_slice %arg3[%dma_start3A_239, %dma_start3A_240] : memref<1000000x64xf32, #tpu.memory_space<hbm>> -> memref<1000000x64xf32, #tpu.memory_space<hbm>>
      tpu.enqueue_indirect_dma source(%dma_start3A_241 : memref<1000000x64xf32, #tpu.memory_space<hbm>>) target(%arg8 : memref<128x64xf32, #tpu.memory_space<vmem>>) offsets(%dma_start3A_238 : memref<128xi32, #tpu.memory_space<vmem>>) semaphore(%arg16 : memref<!tpu.dma_semaphore, #tpu.memory_space<semaphore_mem>>)
      %sub3A_242 = arith.constant 6 : i32
      %sub3A_243 = arith.subi %add3A_231, %sub3A_242 : i32
      %mul3A_244 = arith.constant 128 : i32
      %mul3A_245 = arith.muli %sub3A_243, %mul3A_244 : i32
      %dma_wait3A_246 = tpu.memref_slice %arg5[%mul3A_245] : memref<25600xi32, #tpu.memory_space<vmem>> -> memref<128xi32, #tpu.memory_space<vmem>>
      %dma_wait3A_247 = arith.constant 0 : i32
      %dma_wait3A_248 = arith.constant 0 : i32
      %dma_wait3A_249 = tpu.memref_slice %arg3[%dma_wait3A_247, %dma_wait3A_248] : memref<1000000x64xf32, #tpu.memory_space<hbm>> -> memref<1000000x64xf32, #tpu.memory_space<hbm>>
      tpu.wait_indirect_dma semaphore(%arg18 : memref<!tpu.dma_semaphore, #tpu.memory_space<semaphore_mem>>) src(%dma_wait3A_249 : memref<1000000x64xf32, #tpu.memory_space<hbm>>) dst(%arg10 : memref<128x64xf32, #tpu.memory_space<vmem>>)
      %sub3A_250 = arith.constant 6 : i32
      %sub3A_251 = arith.subi %add3A_231, %sub3A_250 : i32
      %mul3A_252 = arith.constant 128 : i32
      %mul3A_253 = arith.muli %sub3A_251, %mul3A_252 : i32
      %add3A_254 = arith.addi %mul3A_2, %mul3A_253 : i32
      %dma_start3A_255 = arith.constant 0 : i32
      %dma_start3A_256 = tpu.memref_slice %arg4[%add3A_254, %dma_start3A_255] : memref<819200x64xf32, #tpu.memory_space<hbm>> -> memref<128x64xf32, #tpu.memory_space<hbm>>
      %dma_start3A_257 = arith.constant 0 : i32
      %dma_start3A_258 = tpu.memref_slice %arg4[%add3A_254, %dma_start3A_257] : memref<819200x64xf32, #tpu.memory_space<hbm>> -> memref<128x64xf32, #tpu.memory_space<hbm>>
      tpu.enqueue_dma source(%arg10 : memref<128x64xf32, #tpu.memory_space<vmem>>) target(%dma_start3A_258 : memref<128x64xf32, #tpu.memory_space<hbm>>) target_semaphore(%arg26 : memref<!tpu.dma_semaphore, #tpu.memory_space<semaphore_mem>>)
      %mul3A_259 = arith.constant 8 : i32
      %mul3A_260 = arith.muli %scan3A_166, %mul3A_259 : i32
      %add3A_261 = arith.constant 3 : i32
      %add3A_262 = arith.addi %mul3A_260, %add3A_261 : i32
      %dma_wait3A_263 = arith.constant 0 : i32
      %dma_wait3A_264 = tpu.memref_slice %arg4[%mul3A_2, %dma_wait3A_263] : memref<819200x64xf32, #tpu.memory_space<hbm>> -> memref<128x64xf32, #tpu.memory_space<hbm>>
      %dma_wait3A_265 = arith.constant 0 : i32
      %dma_wait3A_266 = tpu.memref_slice %arg4[%mul3A_2, %dma_wait3A_265] : memref<819200x64xf32, #tpu.memory_space<hbm>> -> memref<128x64xf32, #tpu.memory_space<hbm>>
      tpu.wait_dma2 semaphore(%arg25 : memref<!tpu.dma_semaphore, #tpu.memory_space<semaphore_mem>>) src(%dma_wait3A_266 : memref<128x64xf32, #tpu.memory_space<hbm>>) dst(%arg9 : memref<128x64xf32, #tpu.memory_space<vmem>>)
      %mul3A_267 = arith.constant 128 : i32
      %mul3A_268 = arith.muli %add3A_262, %mul3A_267 : i32
      %dma_start3A_269 = tpu.memref_slice %arg5[%mul3A_268] : memref<25600xi32, #tpu.memory_space<vmem>> -> memref<128xi32, #tpu.memory_space<vmem>>
      %dma_start3A_270 = arith.constant 0 : i32
      %dma_start3A_271 = arith.constant 0 : i32
      %dma_start3A_272 = tpu.memref_slice %arg3[%dma_start3A_270, %dma_start3A_271] : memref<1000000x64xf32, #tpu.memory_space<hbm>> -> memref<1000000x64xf32, #tpu.memory_space<hbm>>
      tpu.enqueue_indirect_dma source(%dma_start3A_272 : memref<1000000x64xf32, #tpu.memory_space<hbm>>) target(%arg9 : memref<128x64xf32, #tpu.memory_space<vmem>>) offsets(%dma_start3A_269 : memref<128xi32, #tpu.memory_space<vmem>>) semaphore(%arg17 : memref<!tpu.dma_semaphore, #tpu.memory_space<semaphore_mem>>)
      %sub3A_273 = arith.constant 6 : i32
      %sub3A_274 = arith.subi %add3A_262, %sub3A_273 : i32
      %mul3A_275 = arith.constant 128 : i32
      %mul3A_276 = arith.muli %sub3A_274, %mul3A_275 : i32
      %dma_wait3A_277 = tpu.memref_slice %arg5[%mul3A_276] : memref<25600xi32, #tpu.memory_space<vmem>> -> memref<128xi32, #tpu.memory_space<vmem>>
      %dma_wait3A_278 = arith.constant 0 : i32
      %dma_wait3A_279 = arith.constant 0 : i32
      %dma_wait3A_280 = tpu.memref_slice %arg3[%dma_wait3A_278, %dma_wait3A_279] : memref<1000000x64xf32, #tpu.memory_space<hbm>> -> memref<1000000x64xf32, #tpu.memory_space<hbm>>
      tpu.wait_indirect_dma semaphore(%arg19 : memref<!tpu.dma_semaphore, #tpu.memory_space<semaphore_mem>>) src(%dma_wait3A_280 : memref<1000000x64xf32, #tpu.memory_space<hbm>>) dst(%arg11 : memref<128x64xf32, #tpu.memory_space<vmem>>)
      %sub3A_281 = arith.constant 6 : i32
      %sub3A_282 = arith.subi %add3A_262, %sub3A_281 : i32
      %mul3A_283 = arith.constant 128 : i32
      %mul3A_284 = arith.muli %sub3A_282, %mul3A_283 : i32
      %add3A_285 = arith.addi %mul3A_2, %mul3A_284 : i32
      %dma_start3A_286 = arith.constant 0 : i32
      %dma_start3A_287 = tpu.memref_slice %arg4[%add3A_285, %dma_start3A_286] : memref<819200x64xf32, #tpu.memory_space<hbm>> -> memref<128x64xf32, #tpu.memory_space<hbm>>
      %dma_start3A_288 = arith.constant 0 : i32
      %dma_start3A_289 = tpu.memref_slice %arg4[%add3A_285, %dma_start3A_288] : memref<819200x64xf32, #tpu.memory_space<hbm>> -> memref<128x64xf32, #tpu.memory_space<hbm>>
      tpu.enqueue_dma source(%arg11 : memref<128x64xf32, #tpu.memory_space<vmem>>) target(%dma_start3A_289 : memref<128x64xf32, #tpu.memory_space<hbm>>) target_semaphore(%arg27 : memref<!tpu.dma_semaphore, #tpu.memory_space<semaphore_mem>>)
      %mul3A_290 = arith.constant 8 : i32
      %mul3A_291 = arith.muli %scan3A_166, %mul3A_290 : i32
      %add3A_292 = arith.constant 4 : i32
      %add3A_293 = arith.addi %mul3A_291, %add3A_292 : i32
      %dma_wait3A_294 = arith.constant 0 : i32
      %dma_wait3A_295 = tpu.memref_slice %arg4[%mul3A_2, %dma_wait3A_294] : memref<819200x64xf32, #tpu.memory_space<hbm>> -> memref<128x64xf32, #tpu.memory_space<hbm>>
      %dma_wait3A_296 = arith.constant 0 : i32
      %dma_wait3A_297 = tpu.memref_slice %arg4[%mul3A_2, %dma_wait3A_296] : memref<819200x64xf32, #tpu.memory_space<hbm>> -> memref<128x64xf32, #tpu.memory_space<hbm>>
      tpu.wait_dma2 semaphore(%arg26 : memref<!tpu.dma_semaphore, #tpu.memory_space<semaphore_mem>>) src(%dma_wait3A_297 : memref<128x64xf32, #tpu.memory_space<hbm>>) dst(%arg10 : memref<128x64xf32, #tpu.memory_space<vmem>>)
      %mul3A_298 = arith.constant 128 : i32
      %mul3A_299 = arith.muli %add3A_293, %mul3A_298 : i32
      %dma_start3A_300 = tpu.memref_slice %arg5[%mul3A_299] : memref<25600xi32, #tpu.memory_space<vmem>> -> memref<128xi32, #tpu.memory_space<vmem>>
      %dma_start3A_301 = arith.constant 0 : i32
      %dma_start3A_302 = arith.constant 0 : i32
      %dma_start3A_303 = tpu.memref_slice %arg3[%dma_start3A_301, %dma_start3A_302] : memref<1000000x64xf32, #tpu.memory_space<hbm>> -> memref<1000000x64xf32, #tpu.memory_space<hbm>>
      tpu.enqueue_indirect_dma source(%dma_start3A_303 : memref<1000000x64xf32, #tpu.memory_space<hbm>>) target(%arg10 : memref<128x64xf32, #tpu.memory_space<vmem>>) offsets(%dma_start3A_300 : memref<128xi32, #tpu.memory_space<vmem>>) semaphore(%arg18 : memref<!tpu.dma_semaphore, #tpu.memory_space<semaphore_mem>>)
      %sub3A_304 = arith.constant 6 : i32
      %sub3A_305 = arith.subi %add3A_293, %sub3A_304 : i32
      %mul3A_306 = arith.constant 128 : i32
      %mul3A_307 = arith.muli %sub3A_305, %mul3A_306 : i32
      %dma_wait3A_308 = tpu.memref_slice %arg5[%mul3A_307] : memref<25600xi32, #tpu.memory_space<vmem>> -> memref<128xi32, #tpu.memory_space<vmem>>
      %dma_wait3A_309 = arith.constant 0 : i32
      %dma_wait3A_310 = arith.constant 0 : i32
      %dma_wait3A_311 = tpu.memref_slice %arg3[%dma_wait3A_309, %dma_wait3A_310] : memref<1000000x64xf32, #tpu.memory_space<hbm>> -> memref<1000000x64xf32, #tpu.memory_space<hbm>>
      tpu.wait_indirect_dma semaphore(%arg20 : memref<!tpu.dma_semaphore, #tpu.memory_space<semaphore_mem>>) src(%dma_wait3A_311 : memref<1000000x64xf32, #tpu.memory_space<hbm>>) dst(%arg12 : memref<128x64xf32, #tpu.memory_space<vmem>>)
      %sub3A_312 = arith.constant 6 : i32
      %sub3A_313 = arith.subi %add3A_293, %sub3A_312 : i32
      %mul3A_314 = arith.constant 128 : i32
      %mul3A_315 = arith.muli %sub3A_313, %mul3A_314 : i32
      %add3A_316 = arith.addi %mul3A_2, %mul3A_315 : i32
      %dma_start3A_317 = arith.constant 0 : i32
      %dma_start3A_318 = tpu.memref_slice %arg4[%add3A_316, %dma_start3A_317] : memref<819200x64xf32, #tpu.memory_space<hbm>> -> memref<128x64xf32, #tpu.memory_space<hbm>>
      %dma_start3A_319 = arith.constant 0 : i32
      %dma_start3A_320 = tpu.memref_slice %arg4[%add3A_316, %dma_start3A_319] : memref<819200x64xf32, #tpu.memory_space<hbm>> -> memref<128x64xf32, #tpu.memory_space<hbm>>
      tpu.enqueue_dma source(%arg12 : memref<128x64xf32, #tpu.memory_space<vmem>>) target(%dma_start3A_320 : memref<128x64xf32, #tpu.memory_space<hbm>>) target_semaphore(%arg28 : memref<!tpu.dma_semaphore, #tpu.memory_space<semaphore_mem>>)
      %mul3A_321 = arith.constant 8 : i32
      %mul3A_322 = arith.muli %scan3A_166, %mul3A_321 : i32
      %add3A_323 = arith.constant 5 : i32
      %add3A_324 = arith.addi %mul3A_322, %add3A_323 : i32
      %dma_wait3A_325 = arith.constant 0 : i32
      %dma_wait3A_326 = tpu.memref_slice %arg4[%mul3A_2, %dma_wait3A_325] : memref<819200x64xf32, #tpu.memory_space<hbm>> -> memref<128x64xf32, #tpu.memory_space<hbm>>
      %dma_wait3A_327 = arith.constant 0 : i32
      %dma_wait3A_328 = tpu.memref_slice %arg4[%mul3A_2, %dma_wait3A_327] : memref<819200x64xf32, #tpu.memory_space<hbm>> -> memref<128x64xf32, #tpu.memory_space<hbm>>
      tpu.wait_dma2 semaphore(%arg27 : memref<!tpu.dma_semaphore, #tpu.memory_space<semaphore_mem>>) src(%dma_wait3A_328 : memref<128x64xf32, #tpu.memory_space<hbm>>) dst(%arg11 : memref<128x64xf32, #tpu.memory_space<vmem>>)
      %mul3A_329 = arith.constant 128 : i32
      %mul3A_330 = arith.muli %add3A_324, %mul3A_329 : i32
      %dma_start3A_331 = tpu.memref_slice %arg5[%mul3A_330] : memref<25600xi32, #tpu.memory_space<vmem>> -> memref<128xi32, #tpu.memory_space<vmem>>
      %dma_start3A_332 = arith.constant 0 : i32
      %dma_start3A_333 = arith.constant 0 : i32
      %dma_start3A_334 = tpu.memref_slice %arg3[%dma_start3A_332, %dma_start3A_333] : memref<1000000x64xf32, #tpu.memory_space<hbm>> -> memref<1000000x64xf32, #tpu.memory_space<hbm>>
      tpu.enqueue_indirect_dma source(%dma_start3A_334 : memref<1000000x64xf32, #tpu.memory_space<hbm>>) target(%arg11 : memref<128x64xf32, #tpu.memory_space<vmem>>) offsets(%dma_start3A_331 : memref<128xi32, #tpu.memory_space<vmem>>) semaphore(%arg19 : memref<!tpu.dma_semaphore, #tpu.memory_space<semaphore_mem>>)
      %sub3A_335 = arith.constant 6 : i32
      %sub3A_336 = arith.subi %add3A_324, %sub3A_335 : i32
      %mul3A_337 = arith.constant 128 : i32
      %mul3A_338 = arith.muli %sub3A_336, %mul3A_337 : i32
      %dma_wait3A_339 = tpu.memref_slice %arg5[%mul3A_338] : memref<25600xi32, #tpu.memory_space<vmem>> -> memref<128xi32, #tpu.memory_space<vmem>>
      %dma_wait3A_340 = arith.constant 0 : i32
      %dma_wait3A_341 = arith.constant 0 : i32
      %dma_wait3A_342 = tpu.memref_slice %arg3[%dma_wait3A_340, %dma_wait3A_341] : memref<1000000x64xf32, #tpu.memory_space<hbm>> -> memref<1000000x64xf32, #tpu.memory_space<hbm>>
      tpu.wait_indirect_dma semaphore(%arg21 : memref<!tpu.dma_semaphore, #tpu.memory_space<semaphore_mem>>) src(%dma_wait3A_342 : memref<1000000x64xf32, #tpu.memory_space<hbm>>) dst(%arg13 : memref<128x64xf32, #tpu.memory_space<vmem>>)
      %sub3A_343 = arith.constant 6 : i32
      %sub3A_344 = arith.subi %add3A_324, %sub3A_343 : i32
      %mul3A_345 = arith.constant 128 : i32
      %mul3A_346 = arith.muli %sub3A_344, %mul3A_345 : i32
      %add3A_347 = arith.addi %mul3A_2, %mul3A_346 : i32
      %dma_start3A_348 = arith.constant 0 : i32
      %dma_start3A_349 = tpu.memref_slice %arg4[%add3A_347, %dma_start3A_348] : memref<819200x64xf32, #tpu.memory_space<hbm>> -> memref<128x64xf32, #tpu.memory_space<hbm>>
      %dma_start3A_350 = arith.constant 0 : i32
      %dma_start3A_351 = tpu.memref_slice %arg4[%add3A_347, %dma_start3A_350] : memref<819200x64xf32, #tpu.memory_space<hbm>> -> memref<128x64xf32, #tpu.memory_space<hbm>>
      tpu.enqueue_dma source(%arg13 : memref<128x64xf32, #tpu.memory_space<vmem>>) target(%dma_start3A_351 : memref<128x64xf32, #tpu.memory_space<hbm>>) target_semaphore(%arg29 : memref<!tpu.dma_semaphore, #tpu.memory_space<semaphore_mem>>)
      %mul3A_352 = arith.constant 8 : i32
      %mul3A_353 = arith.muli %scan3A_166, %mul3A_352 : i32
      %add3A_354 = arith.constant 6 : i32
      %add3A_355 = arith.addi %mul3A_353, %add3A_354 : i32
      %dma_wait3A_356 = arith.constant 0 : i32
      %dma_wait3A_357 = tpu.memref_slice %arg4[%mul3A_2, %dma_wait3A_356] : memref<819200x64xf32, #tpu.memory_space<hbm>> -> memref<128x64xf32, #tpu.memory_space<hbm>>
      %dma_wait3A_358 = arith.constant 0 : i32
      %dma_wait3A_359 = tpu.memref_slice %arg4[%mul3A_2, %dma_wait3A_358] : memref<819200x64xf32, #tpu.memory_space<hbm>> -> memref<128x64xf32, #tpu.memory_space<hbm>>
      tpu.wait_dma2 semaphore(%arg28 : memref<!tpu.dma_semaphore, #tpu.memory_space<semaphore_mem>>) src(%dma_wait3A_359 : memref<128x64xf32, #tpu.memory_space<hbm>>) dst(%arg12 : memref<128x64xf32, #tpu.memory_space<vmem>>)
      %mul3A_360 = arith.constant 128 : i32
      %mul3A_361 = arith.muli %add3A_355, %mul3A_360 : i32
      %dma_start3A_362 = tpu.memref_slice %arg5[%mul3A_361] : memref<25600xi32, #tpu.memory_space<vmem>> -> memref<128xi32, #tpu.memory_space<vmem>>
      %dma_start3A_363 = arith.constant 0 : i32
      %dma_start3A_364 = arith.constant 0 : i32
      %dma_start3A_365 = tpu.memref_slice %arg3[%dma_start3A_363, %dma_start3A_364] : memref<1000000x64xf32, #tpu.memory_space<hbm>> -> memref<1000000x64xf32, #tpu.memory_space<hbm>>
      tpu.enqueue_indirect_dma source(%dma_start3A_365 : memref<1000000x64xf32, #tpu.memory_space<hbm>>) target(%arg12 : memref<128x64xf32, #tpu.memory_space<vmem>>) offsets(%dma_start3A_362 : memref<128xi32, #tpu.memory_space<vmem>>) semaphore(%arg20 : memref<!tpu.dma_semaphore, #tpu.memory_space<semaphore_mem>>)
      %sub3A_366 = arith.constant 6 : i32
      %sub3A_367 = arith.subi %add3A_355, %sub3A_366 : i32
      %mul3A_368 = arith.constant 128 : i32
      %mul3A_369 = arith.muli %sub3A_367, %mul3A_368 : i32
      %dma_wait3A_370 = tpu.memref_slice %arg5[%mul3A_369] : memref<25600xi32, #tpu.memory_space<vmem>> -> memref<128xi32, #tpu.memory_space<vmem>>
      %dma_wait3A_371 = arith.constant 0 : i32
      %dma_wait3A_372 = arith.constant 0 : i32
      %dma_wait3A_373 = tpu.memref_slice %arg3[%dma_wait3A_371, %dma_wait3A_372] : memref<1000000x64xf32, #tpu.memory_space<hbm>> -> memref<1000000x64xf32, #tpu.memory_space<hbm>>
      tpu.wait_indirect_dma semaphore(%arg14 : memref<!tpu.dma_semaphore, #tpu.memory_space<semaphore_mem>>) src(%dma_wait3A_373 : memref<1000000x64xf32, #tpu.memory_space<hbm>>) dst(%arg6 : memref<128x64xf32, #tpu.memory_space<vmem>>)
      %sub3A_374 = arith.constant 6 : i32
      %sub3A_375 = arith.subi %add3A_355, %sub3A_374 : i32
      %mul3A_376 = arith.constant 128 : i32
      %mul3A_377 = arith.muli %sub3A_375, %mul3A_376 : i32
      %add3A_378 = arith.addi %mul3A_2, %mul3A_377 : i32
      %dma_start3A_379 = arith.constant 0 : i32
      %dma_start3A_380 = tpu.memref_slice %arg4[%add3A_378, %dma_start3A_379] : memref<819200x64xf32, #tpu.memory_space<hbm>> -> memref<128x64xf32, #tpu.memory_space<hbm>>
      %dma_start3A_381 = arith.constant 0 : i32
      %dma_start3A_382 = tpu.memref_slice %arg4[%add3A_378, %dma_start3A_381] : memref<819200x64xf32, #tpu.memory_space<hbm>> -> memref<128x64xf32, #tpu.memory_space<hbm>>
      tpu.enqueue_dma source(%arg6 : memref<128x64xf32, #tpu.memory_space<vmem>>) target(%dma_start3A_382 : memref<128x64xf32, #tpu.memory_space<hbm>>) target_semaphore(%arg22 : memref<!tpu.dma_semaphore, #tpu.memory_space<semaphore_mem>>)
      %mul3A_383 = arith.constant 8 : i32
      %mul3A_384 = arith.muli %scan3A_166, %mul3A_383 : i32
      %add3A_385 = arith.constant 7 : i32
      %add3A_386 = arith.addi %mul3A_384, %add3A_385 : i32
      %dma_wait3A_387 = arith.constant 0 : i32
      %dma_wait3A_388 = tpu.memref_slice %arg4[%mul3A_2, %dma_wait3A_387] : memref<819200x64xf32, #tpu.memory_space<hbm>> -> memref<128x64xf32, #tpu.memory_space<hbm>>
      %dma_wait3A_389 = arith.constant 0 : i32
      %dma_wait3A_390 = tpu.memref_slice %arg4[%mul3A_2, %dma_wait3A_389] : memref<819200x64xf32, #tpu.memory_space<hbm>> -> memref<128x64xf32, #tpu.memory_space<hbm>>
      tpu.wait_dma2 semaphore(%arg29 : memref<!tpu.dma_semaphore, #tpu.memory_space<semaphore_mem>>) src(%dma_wait3A_390 : memref<128x64xf32, #tpu.memory_space<hbm>>) dst(%arg13 : memref<128x64xf32, #tpu.memory_space<vmem>>)
      %mul3A_391 = arith.constant 128 : i32
      %mul3A_392 = arith.muli %add3A_386, %mul3A_391 : i32
      %dma_start3A_393 = tpu.memref_slice %arg5[%mul3A_392] : memref<25600xi32, #tpu.memory_space<vmem>> -> memref<128xi32, #tpu.memory_space<vmem>>
      %dma_start3A_394 = arith.constant 0 : i32
      %dma_start3A_395 = arith.constant 0 : i32
      %dma_start3A_396 = tpu.memref_slice %arg3[%dma_start3A_394, %dma_start3A_395] : memref<1000000x64xf32, #tpu.memory_space<hbm>> -> memref<1000000x64xf32, #tpu.memory_space<hbm>>
      tpu.enqueue_indirect_dma source(%dma_start3A_396 : memref<1000000x64xf32, #tpu.memory_space<hbm>>) target(%arg13 : memref<128x64xf32, #tpu.memory_space<vmem>>) offsets(%dma_start3A_393 : memref<128xi32, #tpu.memory_space<vmem>>) semaphore(%arg21 : memref<!tpu.dma_semaphore, #tpu.memory_space<semaphore_mem>>)
      %sub3A_397 = arith.constant 6 : i32
      %sub3A_398 = arith.subi %add3A_386, %sub3A_397 : i32
      %mul3A_399 = arith.constant 128 : i32
      %mul3A_400 = arith.muli %sub3A_398, %mul3A_399 : i32
      %dma_wait3A_401 = tpu.memref_slice %arg5[%mul3A_400] : memref<25600xi32, #tpu.memory_space<vmem>> -> memref<128xi32, #tpu.memory_space<vmem>>
      %dma_wait3A_402 = arith.constant 0 : i32
      %dma_wait3A_403 = arith.constant 0 : i32
      %dma_wait3A_404 = tpu.memref_slice %arg3[%dma_wait3A_402, %dma_wait3A_403] : memref<1000000x64xf32, #tpu.memory_space<hbm>> -> memref<1000000x64xf32, #tpu.memory_space<hbm>>
      tpu.wait_indirect_dma semaphore(%arg15 : memref<!tpu.dma_semaphore, #tpu.memory_space<semaphore_mem>>) src(%dma_wait3A_404 : memref<1000000x64xf32, #tpu.memory_space<hbm>>) dst(%arg7 : memref<128x64xf32, #tpu.memory_space<vmem>>)
      %sub3A_405 = arith.constant 6 : i32
      %sub3A_406 = arith.subi %add3A_386, %sub3A_405 : i32
      %mul3A_407 = arith.constant 128 : i32
      %mul3A_408 = arith.muli %sub3A_406, %mul3A_407 : i32
      %add3A_409 = arith.addi %mul3A_2, %mul3A_408 : i32
      %dma_start3A_410 = arith.constant 0 : i32
      %dma_start3A_411 = tpu.memref_slice %arg4[%add3A_409, %dma_start3A_410] : memref<819200x64xf32, #tpu.memory_space<hbm>> -> memref<128x64xf32, #tpu.memory_space<hbm>>
      %dma_start3A_412 = arith.constant 0 : i32
      %dma_start3A_413 = tpu.memref_slice %arg4[%add3A_409, %dma_start3A_412] : memref<819200x64xf32, #tpu.memory_space<hbm>> -> memref<128x64xf32, #tpu.memory_space<hbm>>
      tpu.enqueue_dma source(%arg7 : memref<128x64xf32, #tpu.memory_space<vmem>>) target(%dma_start3A_413 : memref<128x64xf32, #tpu.memory_space<hbm>>) target_semaphore(%arg23 : memref<!tpu.dma_semaphore, #tpu.memory_space<semaphore_mem>>)
    }
    %scan3A_67 = arith.constant 24 : i32
    %dma_wait3A_68 = arith.constant 24832 : i32
    %dma_wait3A_69 = tpu.memref_slice %arg5[%dma_wait3A_68] : memref<25600xi32, #tpu.memory_space<vmem>> -> memref<128xi32, #tpu.memory_space<vmem>>
    %dma_wait3A_70 = arith.constant 0 : i32
    %dma_wait3A_71 = arith.constant 0 : i32
    %dma_wait3A_72 = tpu.memref_slice %arg3[%dma_wait3A_70, %dma_wait3A_71] : memref<1000000x64xf32, #tpu.memory_space<hbm>> -> memref<1000000x64xf32, #tpu.memory_space<hbm>>
    tpu.wait_indirect_dma semaphore(%arg16 : memref<!tpu.dma_semaphore, #tpu.memory_space<semaphore_mem>>) src(%dma_wait3A_72 : memref<1000000x64xf32, #tpu.memory_space<hbm>>) dst(%arg8 : memref<128x64xf32, #tpu.memory_space<vmem>>)
    %add3A_73 = arith.constant 24832 : i32
    %add3A_74 = arith.addi %mul3A_2, %add3A_73 : i32
    %dma_start3A_75 = arith.constant 0 : i32
    %dma_start3A_76 = tpu.memref_slice %arg4[%add3A_74, %dma_start3A_75] : memref<819200x64xf32, #tpu.memory_space<hbm>> -> memref<128x64xf32, #tpu.memory_space<hbm>>
    %dma_start3A_77 = arith.constant 0 : i32
    %dma_start3A_78 = tpu.memref_slice %arg4[%add3A_74, %dma_start3A_77] : memref<819200x64xf32, #tpu.memory_space<hbm>> -> memref<128x64xf32, #tpu.memory_space<hbm>>
    tpu.enqueue_dma source(%arg8 : memref<128x64xf32, #tpu.memory_space<vmem>>) target(%dma_start3A_78 : memref<128x64xf32, #tpu.memory_space<hbm>>) target_semaphore(%arg24 : memref<!tpu.dma_semaphore, #tpu.memory_space<semaphore_mem>>)
    %dma_wait3A_79 = arith.constant 24960 : i32
    %dma_wait3A_80 = tpu.memref_slice %arg5[%dma_wait3A_79] : memref<25600xi32, #tpu.memory_space<vmem>> -> memref<128xi32, #tpu.memory_space<vmem>>
    %dma_wait3A_81 = arith.constant 0 : i32
    %dma_wait3A_82 = arith.constant 0 : i32
    %dma_wait3A_83 = tpu.memref_slice %arg3[%dma_wait3A_81, %dma_wait3A_82] : memref<1000000x64xf32, #tpu.memory_space<hbm>> -> memref<1000000x64xf32, #tpu.memory_space<hbm>>
    tpu.wait_indirect_dma semaphore(%arg17 : memref<!tpu.dma_semaphore, #tpu.memory_space<semaphore_mem>>) src(%dma_wait3A_83 : memref<1000000x64xf32, #tpu.memory_space<hbm>>) dst(%arg9 : memref<128x64xf32, #tpu.memory_space<vmem>>)
    %add3A_84 = arith.constant 24960 : i32
    %add3A_85 = arith.addi %mul3A_2, %add3A_84 : i32
    %dma_start3A_86 = arith.constant 0 : i32
    %dma_start3A_87 = tpu.memref_slice %arg4[%add3A_85, %dma_start3A_86] : memref<819200x64xf32, #tpu.memory_space<hbm>> -> memref<128x64xf32, #tpu.memory_space<hbm>>
    %dma_start3A_88 = arith.constant 0 : i32
    %dma_start3A_89 = tpu.memref_slice %arg4[%add3A_85, %dma_start3A_88] : memref<819200x64xf32, #tpu.memory_space<hbm>> -> memref<128x64xf32, #tpu.memory_space<hbm>>
    tpu.enqueue_dma source(%arg9 : memref<128x64xf32, #tpu.memory_space<vmem>>) target(%dma_start3A_89 : memref<128x64xf32, #tpu.memory_space<hbm>>) target_semaphore(%arg25 : memref<!tpu.dma_semaphore, #tpu.memory_space<semaphore_mem>>)
    %dma_wait3A_90 = arith.constant 25088 : i32
    %dma_wait3A_91 = tpu.memref_slice %arg5[%dma_wait3A_90] : memref<25600xi32, #tpu.memory_space<vmem>> -> memref<128xi32, #tpu.memory_space<vmem>>
    %dma_wait3A_92 = arith.constant 0 : i32
    %dma_wait3A_93 = arith.constant 0 : i32
    %dma_wait3A_94 = tpu.memref_slice %arg3[%dma_wait3A_92, %dma_wait3A_93] : memref<1000000x64xf32, #tpu.memory_space<hbm>> -> memref<1000000x64xf32, #tpu.memory_space<hbm>>
    tpu.wait_indirect_dma semaphore(%arg18 : memref<!tpu.dma_semaphore, #tpu.memory_space<semaphore_mem>>) src(%dma_wait3A_94 : memref<1000000x64xf32, #tpu.memory_space<hbm>>) dst(%arg10 : memref<128x64xf32, #tpu.memory_space<vmem>>)
    %add3A_95 = arith.constant 25088 : i32
    %add3A_96 = arith.addi %mul3A_2, %add3A_95 : i32
    %dma_start3A_97 = arith.constant 0 : i32
    %dma_start3A_98 = tpu.memref_slice %arg4[%add3A_96, %dma_start3A_97] : memref<819200x64xf32, #tpu.memory_space<hbm>> -> memref<128x64xf32, #tpu.memory_space<hbm>>
    %dma_start3A_99 = arith.constant 0 : i32
    %dma_start3A_100 = tpu.memref_slice %arg4[%add3A_96, %dma_start3A_99] : memref<819200x64xf32, #tpu.memory_space<hbm>> -> memref<128x64xf32, #tpu.memory_space<hbm>>
    tpu.enqueue_dma source(%arg10 : memref<128x64xf32, #tpu.memory_space<vmem>>) target(%dma_start3A_100 : memref<128x64xf32, #tpu.memory_space<hbm>>) target_semaphore(%arg26 : memref<!tpu.dma_semaphore, #tpu.memory_space<semaphore_mem>>)
    %dma_wait3A_101 = arith.constant 25216 : i32
    %dma_wait3A_102 = tpu.memref_slice %arg5[%dma_wait3A_101] : memref<25600xi32, #tpu.memory_space<vmem>> -> memref<128xi32, #tpu.memory_space<vmem>>
    %dma_wait3A_103 = arith.constant 0 : i32
    %dma_wait3A_104 = arith.constant 0 : i32
    %dma_wait3A_105 = tpu.memref_slice %arg3[%dma_wait3A_103, %dma_wait3A_104] : memref<1000000x64xf32, #tpu.memory_space<hbm>> -> memref<1000000x64xf32, #tpu.memory_space<hbm>>
    tpu.wait_indirect_dma semaphore(%arg19 : memref<!tpu.dma_semaphore, #tpu.memory_space<semaphore_mem>>) src(%dma_wait3A_105 : memref<1000000x64xf32, #tpu.memory_space<hbm>>) dst(%arg11 : memref<128x64xf32, #tpu.memory_space<vmem>>)
    %add3A_106 = arith.constant 25216 : i32
    %add3A_107 = arith.addi %mul3A_2, %add3A_106 : i32
    %dma_start3A_108 = arith.constant 0 : i32
    %dma_start3A_109 = tpu.memref_slice %arg4[%add3A_107, %dma_start3A_108] : memref<819200x64xf32, #tpu.memory_space<hbm>> -> memref<128x64xf32, #tpu.memory_space<hbm>>
    %dma_start3A_110 = arith.constant 0 : i32
    %dma_start3A_111 = tpu.memref_slice %arg4[%add3A_107, %dma_start3A_110] : memref<819200x64xf32, #tpu.memory_space<hbm>> -> memref<128x64xf32, #tpu.memory_space<hbm>>
    tpu.enqueue_dma source(%arg11 : memref<128x64xf32, #tpu.memory_space<vmem>>) target(%dma_start3A_111 : memref<128x64xf32, #tpu.memory_space<hbm>>) target_semaphore(%arg27 : memref<!tpu.dma_semaphore, #tpu.memory_space<semaphore_mem>>)
    %dma_wait3A_112 = arith.constant 25344 : i32
    %dma_wait3A_113 = tpu.memref_slice %arg5[%dma_wait3A_112] : memref<25600xi32, #tpu.memory_space<vmem>> -> memref<128xi32, #tpu.memory_space<vmem>>
    %dma_wait3A_114 = arith.constant 0 : i32
    %dma_wait3A_115 = arith.constant 0 : i32
    %dma_wait3A_116 = tpu.memref_slice %arg3[%dma_wait3A_114, %dma_wait3A_115] : memref<1000000x64xf32, #tpu.memory_space<hbm>> -> memref<1000000x64xf32, #tpu.memory_space<hbm>>
    tpu.wait_indirect_dma semaphore(%arg20 : memref<!tpu.dma_semaphore, #tpu.memory_space<semaphore_mem>>) src(%dma_wait3A_116 : memref<1000000x64xf32, #tpu.memory_space<hbm>>) dst(%arg12 : memref<128x64xf32, #tpu.memory_space<vmem>>)
    %add3A_117 = arith.constant 25344 : i32
    %add3A_118 = arith.addi %mul3A_2, %add3A_117 : i32
    %dma_start3A_119 = arith.constant 0 : i32
    %dma_start3A_120 = tpu.memref_slice %arg4[%add3A_118, %dma_start3A_119] : memref<819200x64xf32, #tpu.memory_space<hbm>> -> memref<128x64xf32, #tpu.memory_space<hbm>>
    %dma_start3A_121 = arith.constant 0 : i32
    %dma_start3A_122 = tpu.memref_slice %arg4[%add3A_118, %dma_start3A_121] : memref<819200x64xf32, #tpu.memory_space<hbm>> -> memref<128x64xf32, #tpu.memory_space<hbm>>
    tpu.enqueue_dma source(%arg12 : memref<128x64xf32, #tpu.memory_space<vmem>>) target(%dma_start3A_122 : memref<128x64xf32, #tpu.memory_space<hbm>>) target_semaphore(%arg28 : memref<!tpu.dma_semaphore, #tpu.memory_space<semaphore_mem>>)
    %dma_wait3A_123 = arith.constant 25472 : i32
    %dma_wait3A_124 = tpu.memref_slice %arg5[%dma_wait3A_123] : memref<25600xi32, #tpu.memory_space<vmem>> -> memref<128xi32, #tpu.memory_space<vmem>>
    %dma_wait3A_125 = arith.constant 0 : i32
    %dma_wait3A_126 = arith.constant 0 : i32
    %dma_wait3A_127 = tpu.memref_slice %arg3[%dma_wait3A_125, %dma_wait3A_126] : memref<1000000x64xf32, #tpu.memory_space<hbm>> -> memref<1000000x64xf32, #tpu.memory_space<hbm>>
    tpu.wait_indirect_dma semaphore(%arg21 : memref<!tpu.dma_semaphore, #tpu.memory_space<semaphore_mem>>) src(%dma_wait3A_127 : memref<1000000x64xf32, #tpu.memory_space<hbm>>) dst(%arg13 : memref<128x64xf32, #tpu.memory_space<vmem>>)
    %add3A_128 = arith.constant 25472 : i32
    %add3A_129 = arith.addi %mul3A_2, %add3A_128 : i32
    %dma_start3A_130 = arith.constant 0 : i32
    %dma_start3A_131 = tpu.memref_slice %arg4[%add3A_129, %dma_start3A_130] : memref<819200x64xf32, #tpu.memory_space<hbm>> -> memref<128x64xf32, #tpu.memory_space<hbm>>
    %dma_start3A_132 = arith.constant 0 : i32
    %dma_start3A_133 = tpu.memref_slice %arg4[%add3A_129, %dma_start3A_132] : memref<819200x64xf32, #tpu.memory_space<hbm>> -> memref<128x64xf32, #tpu.memory_space<hbm>>
    tpu.enqueue_dma source(%arg13 : memref<128x64xf32, #tpu.memory_space<vmem>>) target(%dma_start3A_133 : memref<128x64xf32, #tpu.memory_space<hbm>>) target_semaphore(%arg29 : memref<!tpu.dma_semaphore, #tpu.memory_space<semaphore_mem>>)
    %dma_wait3A_134 = arith.constant 0 : i32
    %dma_wait3A_135 = tpu.memref_slice %arg4[%mul3A_2, %dma_wait3A_134] : memref<819200x64xf32, #tpu.memory_space<hbm>> -> memref<128x64xf32, #tpu.memory_space<hbm>>
    %dma_wait3A_136 = arith.constant 0 : i32
    %dma_wait3A_137 = tpu.memref_slice %arg4[%mul3A_2, %dma_wait3A_136] : memref<819200x64xf32, #tpu.memory_space<hbm>> -> memref<128x64xf32, #tpu.memory_space<hbm>>
    tpu.wait_dma2 semaphore(%arg22 : memref<!tpu.dma_semaphore, #tpu.memory_space<semaphore_mem>>) src(%dma_wait3A_137 : memref<128x64xf32, #tpu.memory_space<hbm>>) dst(%arg6 : memref<128x64xf32, #tpu.memory_space<vmem>>)
    %dma_wait3A_138 = arith.constant 0 : i32
    %dma_wait3A_139 = tpu.memref_slice %arg4[%mul3A_2, %dma_wait3A_138] : memref<819200x64xf32, #tpu.memory_space<hbm>> -> memref<128x64xf32, #tpu.memory_space<hbm>>
    %dma_wait3A_140 = arith.constant 0 : i32
    %dma_wait3A_141 = tpu.memref_slice %arg4[%mul3A_2, %dma_wait3A_140] : memref<819200x64xf32, #tpu.memory_space<hbm>> -> memref<128x64xf32, #tpu.memory_space<hbm>>
    tpu.wait_dma2 semaphore(%arg23 : memref<!tpu.dma_semaphore, #tpu.memory_space<semaphore_mem>>) src(%dma_wait3A_141 : memref<128x64xf32, #tpu.memory_space<hbm>>) dst(%arg7 : memref<128x64xf32, #tpu.memory_space<vmem>>)
    %dma_wait3A_142 = arith.constant 0 : i32
    %dma_wait3A_143 = tpu.memref_slice %arg4[%mul3A_2, %dma_wait3A_142] : memref<819200x64xf32, #tpu.memory_space<hbm>> -> memref<128x64xf32, #tpu.memory_space<hbm>>
    %dma_wait3A_144 = arith.constant 0 : i32
    %dma_wait3A_145 = tpu.memref_slice %arg4[%mul3A_2, %dma_wait3A_144] : memref<819200x64xf32, #tpu.memory_space<hbm>> -> memref<128x64xf32, #tpu.memory_space<hbm>>
    tpu.wait_dma2 semaphore(%arg24 : memref<!tpu.dma_semaphore, #tpu.memory_space<semaphore_mem>>) src(%dma_wait3A_145 : memref<128x64xf32, #tpu.memory_space<hbm>>) dst(%arg8 : memref<128x64xf32, #tpu.memory_space<vmem>>)
    %dma_wait3A_146 = arith.constant 0 : i32
    %dma_wait3A_147 = tpu.memref_slice %arg4[%mul3A_2, %dma_wait3A_146] : memref<819200x64xf32, #tpu.memory_space<hbm>> -> memref<128x64xf32, #tpu.memory_space<hbm>>
    %dma_wait3A_148 = arith.constant 0 : i32
    %dma_wait3A_149 = tpu.memref_slice %arg4[%mul3A_2, %dma_wait3A_148] : memref<819200x64xf32, #tpu.memory_space<hbm>> -> memref<128x64xf32, #tpu.memory_space<hbm>>
    tpu.wait_dma2 semaphore(%arg25 : memref<!tpu.dma_semaphore, #tpu.memory_space<semaphore_mem>>) src(%dma_wait3A_149 : memref<128x64xf32, #tpu.memory_space<hbm>>) dst(%arg9 : memref<128x64xf32, #tpu.memory_space<vmem>>)
    %dma_wait3A_150 = arith.constant 0 : i32
    %dma_wait3A_151 = tpu.memref_slice %arg4[%mul3A_2, %dma_wait3A_150] : memref<819200x64xf32, #tpu.memory_space<hbm>> -> memref<128x64xf32, #tpu.memory_space<hbm>>
    %dma_wait3A_152 = arith.constant 0 : i32
    %dma_wait3A_153 = tpu.memref_slice %arg4[%mul3A_2, %dma_wait3A_152] : memref<819200x64xf32, #tpu.memory_space<hbm>> -> memref<128x64xf32, #tpu.memory_space<hbm>>
    tpu.wait_dma2 semaphore(%arg26 : memref<!tpu.dma_semaphore, #tpu.memory_space<semaphore_mem>>) src(%dma_wait3A_153 : memref<128x64xf32, #tpu.memory_space<hbm>>) dst(%arg10 : memref<128x64xf32, #tpu.memory_space<vmem>>)
    %dma_wait3A_154 = arith.constant 0 : i32
    %dma_wait3A_155 = tpu.memref_slice %arg4[%mul3A_2, %dma_wait3A_154] : memref<819200x64xf32, #tpu.memory_space<hbm>> -> memref<128x64xf32, #tpu.memory_space<hbm>>
    %dma_wait3A_156 = arith.constant 0 : i32
    %dma_wait3A_157 = tpu.memref_slice %arg4[%mul3A_2, %dma_wait3A_156] : memref<819200x64xf32, #tpu.memory_space<hbm>> -> memref<128x64xf32, #tpu.memory_space<hbm>>
    tpu.wait_dma2 semaphore(%arg27 : memref<!tpu.dma_semaphore, #tpu.memory_space<semaphore_mem>>) src(%dma_wait3A_157 : memref<128x64xf32, #tpu.memory_space<hbm>>) dst(%arg11 : memref<128x64xf32, #tpu.memory_space<vmem>>)
    %dma_wait3A_158 = arith.constant 0 : i32
    %dma_wait3A_159 = tpu.memref_slice %arg4[%mul3A_2, %dma_wait3A_158] : memref<819200x64xf32, #tpu.memory_space<hbm>> -> memref<128x64xf32, #tpu.memory_space<hbm>>
    %dma_wait3A_160 = arith.constant 0 : i32
    %dma_wait3A_161 = tpu.memref_slice %arg4[%mul3A_2, %dma_wait3A_160] : memref<819200x64xf32, #tpu.memory_space<hbm>> -> memref<128x64xf32, #tpu.memory_space<hbm>>
    tpu.wait_dma2 semaphore(%arg28 : memref<!tpu.dma_semaphore, #tpu.memory_space<semaphore_mem>>) src(%dma_wait3A_161 : memref<128x64xf32, #tpu.memory_space<hbm>>) dst(%arg12 : memref<128x64xf32, #tpu.memory_space<vmem>>)
    %dma_wait3A_162 = arith.constant 0 : i32
    %dma_wait3A_163 = tpu.memref_slice %arg4[%mul3A_2, %dma_wait3A_162] : memref<819200x64xf32, #tpu.memory_space<hbm>> -> memref<128x64xf32, #tpu.memory_space<hbm>>
    %dma_wait3A_164 = arith.constant 0 : i32
    %dma_wait3A_165 = tpu.memref_slice %arg4[%mul3A_2, %dma_wait3A_164] : memref<819200x64xf32, #tpu.memory_space<hbm>> -> memref<128x64xf32, #tpu.memory_space<hbm>>
    tpu.wait_dma2 semaphore(%arg29 : memref<!tpu.dma_semaphore, #tpu.memory_space<semaphore_mem>>) src(%dma_wait3A_165 : memref<128x64xf32, #tpu.memory_space<hbm>>) dst(%arg13 : memref<128x64xf32, #tpu.memory_space<vmem>>)
    return
  }
}

</mosaic_0001>

<sc_bundles>
// kernel: kernel.3.cloned.1.call-start
scs
__scs_entry_jumppad:
0x0: {  	(pc) =	sbr.rel $0x88, $3  }
0x1: {  	(tag) =	ssettag $0x0;
	lr =	simm.s32 $0x1  }
0x2: {  	[smem:$0x3F9F] =	sst lr;
	_ =	strace $0xD0000000  }
0x3: {  	_ = 	snop  }
0x4: {  	_ = 	snop  }
0x5: {  	_ = 	snop  }
0x6: {  	_ = 	snop  }
0x7: {  	_ = 	snop  }
__scs_overlays_trampoline_lowered:
0x8: {  	[smem:$0x3FAE] =	sst s0  }
0x9: {  	[smem:$0x3FAF] =	sst s1  }
0xa: {  	[smem:$0x3FB0] =	sst s2  }
0xb: {  	[smem:$0x3FB1] =	sst s3  }
0xc: {  	[smem:$0x3FB2] =	sst s4  }
0xd: {  	[smem:$0x3FB3] =	sst s5  }
0xe: {  	[smem:$0x3FB4] =	sst s6  }
0xf: {  	[smem:$0x3FB5] =	sst s7  }
0x10: {  	[smem:$0x3FB6] =	sst s8  }
0x11: {  	[smem:$0x3FB7] =	sst s9;
	s0 =	simm.s32 @!p0 $0x0  }
0x12: {  	s1 =	sld [smem:$0x3F9D];
	s0 =	simm.s32 @p0 $0x1  }
0x13: {  	[smem:$0x3FB8] =	sst s0;
	s0 =	simm.s32 @!p1 $0x0  }
0x14: {  	s2 =	sld [smem:$0x3F9C];
	s0 =	simm.s32 @p1 $0x1  }
0x15: {  	[smem:$0x3FB9] =	sst s0;
	s0 =	simm.s32 @!p2 $0x0  }
0x16: {  	s3 =	sld [smem:$0x3FDB];
	s0 =	simm.s32 @p2 $0x1  }
0x17: {  	s4 =	simm.s32 $0x1BF5;
	[smem:$0x3FBB] =	sst s0  }
0x18: {  	s0 =	sld [smem:$0x3F9E];
	_ =	swait.ge [sflag:s4], $0x0  }
0x19: {  	s7 =	sld [smem:$0x3F9F]  }
0x1a: {  	s8 =	sadd.s32 $0xFFFFE003, lr  }
0x1b: {  	s9 =	sadd.s32 $0xFFFFFEF7, lr;
	s5 =	simm.s32 $0xFFFFFFFF;
	p2 =	slt.u32 s8, $0xFFFFF086  }
0x1c: {  	p1 =	slt.u32 s9, $0xF7A;
	s5 =	simm.s32 @!p2 $0x0  }
0x1d: {  	s5 =	simm.s32 @p1 $0x1;
	p0 =	seq.s32 s7, s2  }
0x1e: {  	s7 =	smul.u32 @!p0 $0xF7A, s2;
	p2 =	seq.s32 @!p0 s5, $0x0  }
0x1f: {  	s9 =	smul.u32 $0xF7A, s1;
	s8 =	simm.s32 @!p0 $0x1BF5;
	p2 =	por !p2, p0  }
0x20: {  	[sflag:s8] =	ssyncset.s32 @!p0 $0xFFFFF086;
	s6 =	sadd.s32 @!p0 s3, s7;
	s7 =	simm.s32 @!p0 $0x108  }
0x21: {  	s3 =	sadd.s32 s3, s9;
	s6 =	sadd.s32 @!p0 $0x88, s6;
	s7 =	simm.s32 @p2 $0x1082  }
0x22: {  	[simem:s7], [sflag:s8] =	dma.local @!p0 [hbm:s6], $0xF7A  }
0x23: {  	s9 =	sor.u32 $0xD0000000, s2;
	s6 =	simm.s32 $0x108;
	_ =	swait.ge @!p0 [sflag:s8], $0x0  }
0x24: {  	s3 =	sadd.s32 $0x88, s3;
	s6 =	simm.s32 @!p1 $0x1082;
	[sflag:s4] =	ssyncset.s32 $0xFFFFF086  }
0x25: {  	[simem:s6], [sflag:s4] =	dma.local [hbm:s3], $0xF7A  }
0x26: {  	[smem:$0x3F9F] =	sst s1;
	(tag) =	ssettag s2;
	_ =	strace s9  }
0x27: {  	s1 =	sld [smem:$0x3FAF]  }
0x28: {  	s2 =	sld [smem:$0x3FB0]  }
0x29: {  	s4 =	sld [smem:$0x3FB2]  }
0x2a: {  	p0 =	seq.s32 s5, $0x0;
	s5 =	sld [smem:$0x3FB3]  }
0x2b: {  	s6 =	sld [smem:$0x3FB4]  }
0x2c: {  	s7 =	sld [smem:$0x3FB5]  }
0x2d: {  	s3 =	simm.s32 $0x108;
	s8 =	sld [smem:$0x3FB6]  }
0x2e: {  	s3 =	simm.s32 @!p0 $0x1082;
	s9 =	sld [smem:$0x3FB7]  }
0x2f: {  	lr =	sadd.s32 s0, s3;
	s0 =	sld [smem:$0x3FAE]  }
0x30: {  	s3 =	sld [smem:$0x3FB1]  }
0x31: {  	[smem:$0x3FBA] =	sst s10  }
0x32: {  	s10 =	sld [smem:$0x3FB8];
	_ =	sdelay $0x3  }
0x33: {  	p0 =	seq.s32 s10, $0x1;
	s10 =	sld [smem:$0x3FBA];
	_ =	sdelay $0x3  }
0x34: {  	[smem:$0x3FBA] =	sst s10  }
0x35: {  	s10 =	sld [smem:$0x3FB9];
	_ =	sdelay $0x3  }
0x36: {  	p1 =	seq.s32 s10, $0x1;
	s10 =	sld [smem:$0x3FBA];
	_ =	sdelay $0x3  }
0x37: {  	[smem:$0x3FBA] =	sst s10  }
0x38: {  	s10 =	sld [smem:$0x3FBB]  }
0x39: {  	_ = 	snop;
	(pc) =	sbr.ind lr, $3  }
0x3a: {  	_ = 	snop  }
0x3b: {  	_ = 	snop  }
0x3c: {  	p2 =	seq.s32 s10, $0x1;
	s10 =	sld [smem:$0x3FBA]  }
0x3d: {  	_ =	shalt  }
0x3e: {  	_ =	shalt  }
0x3f: {  	_ =	shalt  }
0x40: {  	_ =	shalt  }
0x41: {  	_ =	shalt  }
0x42: {  	_ =	shalt  }
0x43: {  	_ =	shalt  }
0x44: {  	_ =	shalt  }
0x45: {  	_ =	shalt  }
0x46: {  	_ =	shalt  }
0x47: {  	_ =	shalt  }
0x48: {  	_ =	shalt  }
0x49: {  	_ =	shalt  }
0x4a: {  	_ =	shalt  }
0x4b: {  	_ =	shalt  }
0x4c: {  	_ =	shalt  }
0x4d: {  	_ =	shalt  }
0x4e: {  	_ =	shalt  }
0x4f: {  	_ =	shalt  }
0x50: {  	_ =	shalt  }
0x51: {  	_ =	shalt  }
0x52: {  	_ =	shalt  }
0x53: {  	_ =	shalt  }
0x54: {  	_ =	shalt  }
0x55: {  	_ =	shalt  }
0x56: {  	_ =	shalt  }
0x57: {  	_ =	shalt  }
0x58: {  	_ =	shalt  }
0x59: {  	_ =	shalt  }
0x5a: {  	_ =	shalt  }
0x5b: {  	_ =	shalt  }
0x5c: {  	_ =	shalt  }
0x5d: {  	_ =	shalt  }
0x5e: {  	_ =	shalt  }
0x5f: {  	_ =	shalt  }
0x60: {  	_ =	shalt  }
0x61: {  	_ =	shalt  }
0x62: {  	_ =	shalt  }
0x63: {  	_ =	shalt  }
0x64: {  	_ =	shalt  }
0x65: {  	_ =	shalt  }
0x66: {  	_ =	shalt  }
0x67: {  	_ =	shalt  }
0x68: {  	_ =	shalt  }
0x69: {  	_ =	shalt  }
0x6a: {  	_ =	shalt  }
0x6b: {  	_ =	shalt  }
0x6c: {  	_ =	shalt  }
0x6d: {  	_ =	shalt  }
0x6e: {  	_ =	shalt  }
0x6f: {  	_ =	shalt  }
0x70: {  	_ =	shalt  }
0x71: {  	_ =	shalt  }
0x72: {  	_ =	shalt  }
0x73: {  	_ =	shalt  }
0x74: {  	_ =	shalt  }
0x75: {  	_ =	shalt  }
0x76: {  	_ =	shalt  }
0x77: {  	_ =	shalt  }
0x78: {  	_ =	shalt  }
0x79: {  	_ =	shalt  }
0x7a: {  	_ =	shalt  }
0x7b: {  	_ =	shalt  }
0x7c: {  	_ =	shalt  }
0x7d: {  	_ =	shalt  }
0x7e: {  	_ =	shalt  }
0x7f: {  	_ =	shalt  }
0x80: {  	_ =	shalt  }
0x81: {  	_ =	shalt  }
0x82: {  	_ =	shalt  }
0x83: {  	_ =	shalt  }
0x84: {  	_ =	shalt  }
0x85: {  	_ =	shalt  }
0x86: {  	_ =	shalt  }
0x87: {  	_ =	shalt  }
.Lfunc_end0:
.L_simem_size_0:
called_computation.1_lowered:
.L_overlay_start_0:
0x88: {  	s2 =	sld [smem:$0x3FD9]  }
0x89: {  	s3 =	sld [smem:$0x3FFE];
	_ =	sdelay $0x1  }
0x8a: {  	s1 =	srdreg.scid  }
0x8b: {  	s0 =	sand.u32 $0x1, s1  }
0x8c: {  	s17 =	sshll.u32 s0, $0xA;
	s2 =	sadd.s32 s3, s2  }
0x8d: {  	s2 =	sadd.s32 s2, s17  }
0x8e: {  	[smem:$0x3FC6] =	sst s2  }
0x8f: {  	_ = 	snop  }
0x90: {  	s2 =	sld [smem:$0x3FD0];
	(tm) =	ssettm $0x1  }
0x91: {  	s18 =	sld [smem:$0x3FFB];
	_ =	sdelay $0x3  }
0x92: {  	_ =	strace s18  }
0x93: {  	s3 =	sld [smem:$0x3FFC];
	_ =	sdelay $0x3  }
0x94: {  	_ =	strace s3  }
0x95: {  	s3 =	sld [smem:$0x3FFD];
	_ =	sdelay $0x3  }
0x96: {  	_ =	strace s3  }
0x97: {  	_ =	strace $0x8FFFFFFF  }
0x98: {  	s19 =	sld [smem:$0x3FDB];
	_ =	sdelay $0x1  }
0x99: {  	s4 =	simm.s32 $_scs_section_size  }
0x9a: {  	s5 =	simm.s32 $_size__tile_overlayer_lowered;
	s6 =	simm.s32 $_tile_overlayer_lowered  }
0x9b: {  	s22 =	simm.s32 $0x1BFF;
	s21 =	sshll.u32 s6, $0x1;
	s3 =	sadd.s32 s4, s19  }
0x9c: {  	s7 =	simm.s32 $0x0;
	s20 =	sshll.u32 s5, $0x1;
	s5 =	sadd.s32 s21, s3  }
0x9d: {  	[timem:s7], [sflag:s22] =	dma.local [hbm:s5], s20  }
0x9e: {  	_ =	swait.ge [sflag:s22], s20  }
0x9f: {  	s4 =	ssub.s32 $0x0, s20;
	[sflag:s22] =	ssyncset.done $0x0  }
0xa0: {  	[sflag:s22] =	ssyncadd.s32 s4;
	_ =	sdelay $0x1  }
0xa1: {  	s23 =	simm.s32 $0x1B8B  }
0xa2: {  	_ =	swait.ge [sflag:s23], $0x1  }
0xa3: {  	[sflag:s23] =	ssyncset.done $0x0  }
0xa4: {  	s25 =	simm.s32 $0x1B8E;
	s24 =	sld [smem:$0x3FFE];
	[sflag:s23] =	ssyncadd.s32 $0xFFFFFFFF  }
0xa5: {  	s26 =	simm.s32 $execute0_lowered;
	[smem:$0x3FD2] =	sst s25  }
0xa6: {  	s5 =	sshll.u32 s26, $0x1;
	_ =	strace $0x80000046;
	[dreg:$0x1] =	wrdreg $0xFFFFFFFF  }
0xa7: {  	s28 =	simm.s32 $_size_execute0_lowered;
	s3 =	sadd.s32 s3, s5;
	[dreg:$0x0] =	wrdreg $0x0  }
0xa8: {  	s5 =	sshll.u32 s28, $0x1;
	[dreg:$0x2] =	wrdreg s3  }
0xa9: {  	[dreg:$0x3] =	wrdreg s5  }
0xaa: {  	[dreg:$0x4] =	wrdreg $0xC0  }
0xab: {  	_ =	task [dreg:s7], $0x5FFFF  }
0xac: {  	[dreg:$0x1] =	wrdreg $0xFFFFFFFF  }
0xad: {  	[dreg:$0x0] =	wrdreg $0x60  }
0xae: {  	[dreg:$0x2] =	wrdreg s24  }
0xaf: {  	[dreg:$0x3] =	wrdreg s2  }
0xb0: {  	[dreg:$0x4] =	wrdreg $0x9  }
0xb1: {  	_ =	task.clear_ibuf [dreg:s7], $0x5FFFF;
	_ =	strace $0x90000046  }
0xb2: {  	s29 =	simm.s32 $0x9;
	_ =	strace $0x80000048  }
0xb3: {  	_ =	swait.ge [sflag:s29], $0x1  }
0xb4: {  	[sflag:s29] =	ssyncadd.s32 $0xFFFFFFFF  }
0xb5: {  	_ =	strace $0x90000048  }
0xb6: {  	_ =	sfence  }
0xb7: {  	s30 =	sld [smem:$0x0];
	_ =	sdelay $0x2  }
0xb8: {  	s31 =	sshll.u32 s1, $0xD;
	s1 =	sshrl.u32 s1, $0x2  }
0xb9: {  	s3 =	sand.u32 $0x4000, s31;
	s1 =	sadd.s32 s1, s30  }
0xba: {  	s0 =	sor.u32 s3, s0;
	s1 =	sshll.u32 s1, $0x11  }
0xbb: {  	s0 =	sor.u32 s1, s0  }
0xbc: {  	s0 =	sadd.s32 $0x8F2B, s0  }
0xbd: {  	[sflag:s0] =	ssyncadd.remote.s32 $0x1  }
0xbe: {  	_ =	sfence.sel $0xFFFF  }
0xbf: {  	[dreg:$0x0] =	wrdreg $0xFFFFFFFF;
	(pc) =	sbr.abs _section_cstart, $3  }
0xc0: {  	[dreg:$0x1] =	wrdreg $0xFFFFFFFF  }
0xc1: {  	_ =	task.clear_ibuf [dreg:s7], $0x2FFFF;
	_ =	strace $0x9FFFFFFF  }
0xc2: {  	(tm) =	ssettm $0x7FFFFFFF  }
0xc3: {  	_ =	shalt  }
tec
execute0_lowered:
.L_overlay_start_1:
0x0: {  	(tag) =	ssettag $0x1  }
0x1: {  	s0 =	rddreg [dreg:$0x0]  }
0x2: {  	s1 =	srdreg.scid;
	s5 =	stileid.u32  }
0x3: {  	s10 =	rddreg [dreg:$0x1];
	s3 =	simm.s32 $0x0;
	s28 =	simm.s32 $0x1  }
0x4: {  	s30 =	simm.s32 $0x12400;
	s31 =	simm.s32 $0x2;
	s29 =	simm.s32 $0xB  }
0x5: {  	s1 =	sand.u32 $0x1, s1;
	s2 =	sshll.u32 s5, $0x1;
	s5 =	smul.u32 $0xC800, s5  }
0x6: {  	s2 =	sor.u32 s1, s2;
	s6 =	ssub.s32 $0x2, s1;
	s1 =	smul.u32 $0x6400, s1  }
0x7: {  	s11 =	simm.s32 $0xF;
	[smem:$0x7FF] =	sst s3;
	s4 =	smul.u32 $0x6400, s2  }
0x8: {  	_ =	strace $0x80000047;
	s8 =	sshrl.u32 s6, $0x1;
	s9 =	smul.u32 $0x32000, s2  }
0x9: {  	s2 =	smul.u32 $0x190000, s2;
	s12 =	ssub.s32 s6, s8;
	s1 =	sadd.s32 s1, s5  }
0xa: {  	s6 =	simm.s32 $0xC;
	s8 =	simm.s32 $0xD;
	s4 =	sshrl.u32 s4, $0x3  }
0xb: {  	s13 =	sadd.s32 s10, s9;
	s1 =	sshll.u32 s1, $0x3;
	s2 =	sshrl.u32 s2, $0x3  }
0xc: {  	s9 =	simm.s32 $0xE;
	[dreg:$0xb] =	wrdreg s13;
	s5 =	sadd.s32 $0x400, s13  }
0xd: {  	s7 =	sadd.s32 s4, s0;
	s15 =	sor.u32 $0x1C00, s1;
	[dreg:$0xd] =	wrdreg s5  }
0xe: {  	s4 =	sadd.s32 $0xF42E00, s0;
	s16 =	sor.u32 $0x1800, s1;
	[dreg:$0x3] =	wrdreg s15  }
0xf: {  	s2 =	sadd.s32 s10, s2;
	s17 =	sor.u32 $0x1400, s1;
	[dreg:$0x4] =	wrdreg s16  }
0x10: {  	s19 =	sor.u32 $0x1000, s1;
	s21 =	sor.u32 $0xC00, s1;
	[dreg:$0x5] =	wrdreg s17  }
0x11: {  	s23 =	sor.u32 $0x800, s1;
	s25 =	sadd.s32 $0x2400, s1;
	[dreg:$0x6] =	wrdreg s19  }
0x12: {  	s1 =	sadd.s32 $0x2000, s1;
	s0 =	smax.u32 s12, $0x1;
	[dreg:$0x7] =	wrdreg s21  }
0x13: {  	s10 =	simm.s32 $0x8;
	s12 =	simm.s32 $0x10;
	[dreg:$0x8] =	wrdreg s23  }
0x14: {  	s13 =	simm.s32 $0x0;
	s14 =	sadd.s32 $0xA00, s7;
	[dreg:$0x9] =	wrdreg s25  }
0x15: {  	s18 =	sadd.s32 $0x30800, s2;
	s20 =	sadd.s32 $0x30C00, s2;
	[dreg:$0x14] =	wrdreg s0  }
0x16: {  	s22 =	sadd.s32 $0x31000, s2;
	s24 =	sadd.s32 $0x31400, s2;
	[dreg:$0xa] =	wrdreg s1  }
0x17: {  	s26 =	sadd.s32 $0x31800, s2;
	s2 =	sadd.s32 $0x31C00, s2;
	[dreg:$0xc] =	wrdreg s14  }
0x18: {  	s16 =	simm.s32 $0x80;
	s17 =	simm.s32 $0x6400;
	[dreg:$0xe] =	wrdreg s18  }
0x19: {  	s0 =	simm.s32 $0x14400;
	s19 =	simm.s32 $0x9;
	[dreg:$0xf] =	wrdreg s20  }
0x1a: {  	s21 =	simm.s32 $0x3;
	s23 =	simm.s32 $0xA;
	[dreg:$0x10] =	wrdreg s22  }
0x1b: {  	s25 =	simm.s32 $0x4;
	s1 =	simm.s32 $0x5;
	[dreg:$0x11] =	wrdreg s24  }
0x1c: {  	s7 =	simm.s32 $0x6;
	s5 =	simm.s32 $0x7;
	[dreg:$0x12] =	wrdreg s26  }
0x1d: {  	[dreg:$0x13] =	wrdreg s2;
	s18 =	simm.s32 $0x8400;
	s20 =	simm.s32 $0xA400  }
0x1e: {  	s22 =	simm.s32 $0xC400;
	s24 =	simm.s32 $0xE400;
	s26 =	simm.s32 $0x10400  }
.LBB2_1:
0x1f: {  	[dreg:$0x15] =	wrdreg s13  }
0x20: {  	s2 =	rddreg [dreg:$0xc];
	s14 =	simm.s32 $0x11  }
0x21: {  	[tilespmem:s3], [sflag:$0x11] =	stream.linear.gather [hbm4b:s2+s3], $0x6400, $0x38;
	[tilespmem:$0x16400] =	vst v63  }
0x22: {  	_ =	swait.ge [sflag:s14], $0x6400  }
0x23: {  	[sflag:s14] =	ssyncset.done $0x0  }
0x24: {  	[sflag:s14] =	ssyncadd.s32 $0xFFFF9C00  }
0x25: {  	[tilespmem:s17], [sflag:$0x1] =	stream.indirect.gather [hbm4b:s4+s16], $0x40, s3, s16, $0xb8;
	[tilespmem:$0x16400] =	vst v63  }
0x26: {  	_ = 	snop  }
0x27: {  	[tilespmem:s18], [sflag:$0x2] =	stream.indirect.gather [hbm4b:s4+s16], $0x40, s16, s16, $0xb8;
	[tilespmem:$0x16400] =	vst v63  }
0x28: {  	s15 =	simm.s32 $0x100  }
0x29: {  	[tilespmem:s20], [sflag:$0x3] =	stream.indirect.gather [hbm4b:s4+s16], $0x40, s15, s16, $0xb8;
	[tilespmem:$0x16400] =	vst v63  }
0x2a: {  	s13 =	simm.s32 $0x180  }
0x2b: {  	[tilespmem:s22], [sflag:$0x4] =	stream.indirect.gather [hbm4b:s4+s16], $0x40, s13, s16, $0xb8;
	[tilespmem:$0x16400] =	vst v63  }
0x2c: {  	s14 =	simm.s32 $0x200  }
0x2d: {  	[tilespmem:s24], [sflag:$0x5] =	stream.indirect.gather [hbm4b:s4+s16], $0x40, s14, s16, $0xb8;
	[tilespmem:$0x16400] =	vst v63  }
0x2e: {  	s15 =	simm.s32 $0x280  }
0x2f: {  	[tilespmem:s26], [sflag:$0x6] =	stream.indirect.gather [hbm4b:s4+s16], $0x40, s15, s16, $0xb8;
	[tilespmem:$0x16400] =	vst v63  }
0x30: {  	_ =	swait.ge [sflag:s28], $0x2000  }
0x31: {  	[sflag:s28] =	ssyncset.done $0x0  }
0x32: {  	s13 =	rddreg [dreg:$0xb];
	[sflag:s28] =	ssyncadd.s32 $0xFFFFE000  }
0x33: {  	[hbm4b:s13+s3] =	stream.linear.scatter [tilespmem:s17], [sflag:$0x9], $0x2000, $0x38;
	[tilespmem:$0x16400] =	vst v63  }
0x34: {  	s14 =	simm.s32 $0x300  }
0x35: {  	[tilespmem:s30], [sflag:$0x7] =	stream.indirect.gather [hbm4b:s4+s16], $0x40, s14, s16, $0xb8;
	[tilespmem:$0x16400] =	vst v63  }
0x36: {  	_ =	swait.ge [sflag:s31], $0x2000  }
0x37: {  	[sflag:s31] =	ssyncset.done $0x0  }
0x38: {  	s15 =	rddreg [dreg:$0xd];
	[sflag:s31] =	ssyncadd.s32 $0xFFFFE000  }
0x39: {  	[hbm4b:s15+s3] =	stream.linear.scatter [tilespmem:s18], [sflag:$0xA], $0x2000, $0x38;
	[tilespmem:$0x16400] =	vst v63  }
0x3a: {  	s13 =	simm.s32 $0x380  }
0x3b: {  	[tilespmem:s0], [sflag:$0x8] =	stream.indirect.gather [hbm4b:s4+s16], $0x40, s13, s16, $0xb8;
	[tilespmem:$0x16400] =	vst v63  }
0x3c: {  	_ =	swait.ge [sflag:s19], $0x2000  }
0x3d: {  	[sflag:s19] =	ssyncset.done $0x0  }
0x3e: {  	s14 =	simm.s32 $0x400;
	[sflag:s19] =	ssyncadd.s32 $0xFFFFE000  }
0x3f: {  	[tilespmem:s17], [sflag:$0x1] =	stream.indirect.gather [hbm4b:s4+s16], $0x40, s14, s16, $0xb8;
	[tilespmem:$0x16400] =	vst v63  }
0x40: {  	_ =	swait.ge [sflag:s21], $0x2000  }
0x41: {  	[sflag:s21] =	ssyncset.done $0x0  }
0x42: {  	s15 =	rddreg [dreg:$0x8];
	[sflag:s21] =	ssyncadd.s32 $0xFFFFE000  }
0x43: {  	s13 =	rddreg [dreg:$0x1]  }
0x44: {  	s2 =	sadd.s32 s13, s15  }
0x45: {  	[hbm4b:s2+s3] =	stream.linear.scatter [tilespmem:s20], [sflag:$0xB], $0x2000, $0x38;
	[tilespmem:$0x16400] =	vst v63  }
0x46: {  	_ =	swait.ge [sflag:s23], $0x2000  }
0x47: {  	[sflag:s23] =	ssyncset.done $0x0  }
0x48: {  	s14 =	simm.s32 $0x480;
	[sflag:s23] =	ssyncadd.s32 $0xFFFFE000  }
0x49: {  	[tilespmem:s18], [sflag:$0x2] =	stream.indirect.gather [hbm4b:s4+s16], $0x40, s14, s16, $0xb8;
	[tilespmem:$0x16400] =	vst v63  }
0x4a: {  	_ =	swait.ge [sflag:s25], $0x2000  }
0x4b: {  	s15 =	rddreg [dreg:$0x7];
	[sflag:s25] =	ssyncset.done $0x0  }
0x4c: {  	[sflag:s25] =	ssyncadd.s32 $0xFFFFE000;
	s2 =	sadd.s32 s13, s15  }
0x4d: {  	[hbm4b:s2+s3] =	stream.linear.scatter [tilespmem:s22], [sflag:$0xC], $0x2000, $0x38;
	[tilespmem:$0x16400] =	vst v63  }
0x4e: {  	_ =	swait.ge [sflag:s29], $0x2000  }
0x4f: {  	[sflag:s29] =	ssyncset.done $0x0  }
0x50: {  	s14 =	simm.s32 $0x500;
	[sflag:s29] =	ssyncadd.s32 $0xFFFFE000  }
0x51: {  	[tilespmem:s20], [sflag:$0x3] =	stream.indirect.gather [hbm4b:s4+s16], $0x40, s14, s16, $0xb8;
	[tilespmem:$0x16400] =	vst v63  }
0x52: {  	_ =	swait.ge [sflag:s1], $0x2000  }
0x53: {  	s15 =	rddreg [dreg:$0x6];
	[sflag:s1] =	ssyncset.done $0x0  }
0x54: {  	[sflag:s1] =	ssyncadd.s32 $0xFFFFE000;
	s2 =	sadd.s32 s13, s15  }
0x55: {  	[hbm4b:s2+s3] =	stream.linear.scatter [tilespmem:s24], [sflag:$0xD], $0x2000, $0x38;
	[tilespmem:$0x16400] =	vst v63  }
0x56: {  	_ =	swait.ge [sflag:s6], $0x2000  }
0x57: {  	[sflag:s6] =	ssyncset.done $0x0  }
0x58: {  	s14 =	simm.s32 $0x580;
	[sflag:s6] =	ssyncadd.s32 $0xFFFFE000  }
0x59: {  	[tilespmem:s22], [sflag:$0x4] =	stream.indirect.gather [hbm4b:s4+s16], $0x40, s14, s16, $0xb8;
	[tilespmem:$0x16400] =	vst v63  }
0x5a: {  	_ =	swait.ge [sflag:s7], $0x2000  }
0x5b: {  	s15 =	rddreg [dreg:$0x5];
	[sflag:s7] =	ssyncset.done $0x0  }
0x5c: {  	[sflag:s7] =	ssyncadd.s32 $0xFFFFE000;
	s2 =	sadd.s32 s13, s15  }
0x5d: {  	[hbm4b:s2+s3] =	stream.linear.scatter [tilespmem:s26], [sflag:$0xE], $0x2000, $0x38;
	[tilespmem:$0x16400] =	vst v63  }
0x5e: {  	_ =	swait.ge [sflag:s8], $0x2000  }
0x5f: {  	[sflag:s8] =	ssyncset.done $0x0  }
0x60: {  	s14 =	simm.s32 $0x600;
	[sflag:s8] =	ssyncadd.s32 $0xFFFFE000  }
0x61: {  	[tilespmem:s24], [sflag:$0x5] =	stream.indirect.gather [hbm4b:s4+s16], $0x40, s14, s16, $0xb8;
	[tilespmem:$0x16400] =	vst v63  }
0x62: {  	_ =	swait.ge [sflag:s5], $0x2000  }
0x63: {  	s15 =	rddreg [dreg:$0x4];
	[sflag:s5] =	ssyncset.done $0x0  }
0x64: {  	[sflag:s5] =	ssyncadd.s32 $0xFFFFE000;
	s2 =	sadd.s32 s13, s15  }
0x65: {  	[hbm4b:s2+s3] =	stream.linear.scatter [tilespmem:s30], [sflag:$0xF], $0x2000, $0x38;
	[tilespmem:$0x16400] =	vst v63  }
0x66: {  	_ =	swait.ge [sflag:s9], $0x2000  }
0x67: {  	[sflag:s9] =	ssyncset.done $0x0  }
0x68: {  	s14 =	simm.s32 $0x680;
	[sflag:s9] =	ssyncadd.s32 $0xFFFFE000  }
0x69: {  	[tilespmem:s26], [sflag:$0x6] =	stream.indirect.gather [hbm4b:s4+s16], $0x40, s14, s16, $0xb8;
	[tilespmem:$0x16400] =	vst v63  }
0x6a: {  	_ =	swait.ge [sflag:s10], $0x2000  }
0x6b: {  	s15 =	rddreg [dreg:$0x3];
	[sflag:s10] =	ssyncset.done $0x0  }
0x6c: {  	[sflag:s10] =	ssyncadd.s32 $0xFFFFE000;
	s2 =	sadd.s32 s13, s15  }
0x6d: {  	[hbm4b:s2+s3] =	stream.linear.scatter [tilespmem:s0], [sflag:$0x10], $0x2000, $0x38;
	[tilespmem:$0x16400] =	vst v63  }
0x6e: {  	_ =	swait.ge [sflag:s11], $0x2000  }
0x6f: {  	[sflag:s11] =	ssyncset.done $0x0  }
0x70: {  	s14 =	simm.s32 $0x700;
	[sflag:s11] =	ssyncadd.s32 $0xFFFFE000  }
0x71: {  	[tilespmem:s30], [sflag:$0x7] =	stream.indirect.gather [hbm4b:s4+s16], $0x40, s14, s16, $0xb8;
	[tilespmem:$0x16400] =	vst v63  }
0x72: {  	_ =	swait.ge [sflag:s28], $0x2000  }
0x73: {  	s15 =	rddreg [dreg:$0xa];
	[sflag:s28] =	ssyncset.done $0x0  }
0x74: {  	[sflag:s28] =	ssyncadd.s32 $0xFFFFE000;
	s2 =	sadd.s32 s13, s15  }
0x75: {  	[hbm4b:s2+s3] =	stream.linear.scatter [tilespmem:s17], [sflag:$0x9], $0x2000, $0x38;
	[tilespmem:$0x16400] =	vst v63  }
0x76: {  	_ =	swait.ge [sflag:s12], $0x2000  }
0x77: {  	[sflag:s12] =	ssyncset.done $0x0  }
0x78: {  	s14 =	simm.s32 $0x780;
	[sflag:s12] =	ssyncadd.s32 $0xFFFFE000  }
0x79: {  	[tilespmem:s0], [sflag:$0x8] =	stream.indirect.gather [hbm4b:s4+s16], $0x40, s14, s16, $0xb8;
	[tilespmem:$0x16400] =	vst v63  }
0x7a: {  	_ =	swait.ge [sflag:s31], $0x2000  }
0x7b: {  	s14 =	simm.s32 $0x1000;
	s15 =	rddreg [dreg:$0x9];
	[sflag:s31] =	ssyncset.done $0x0  }
0x7c: {  	[sflag:s31] =	ssyncadd.s32 $0xFFFFE000;
	s2 =	sadd.s32 s13, s15;
	s15 =	sadd.s32 $0x2000, s13  }
.LBB2_2:
0x7d: {  	[hbm4b:s2+s3] =	stream.linear.scatter [tilespmem:s18], [sflag:$0xA], $0x2000, $0x38;
	[tilespmem:$0x16400] =	vst v63  }
0x7e: {  	s13 =	smov.u32 s14;
	_ =	swait.ge [sflag:s19], $0x2000  }
0x7f: {  	s2 =	sshra.s32 s13, $0x2;
	[sflag:s19] =	ssyncset.done $0x0  }
0x80: {  	s13 =	sadd.s32 $0x400, s2;
	[sflag:s19] =	ssyncadd.s32 $0xFFFFE000  }
0x81: {  	[tilespmem:s17], [sflag:$0x1] =	stream.indirect.gather [hbm4b:s4+s16], $0x40, s13, s16, $0xb8;
	[tilespmem:$0x16400] =	vst v63  }
0x82: {  	_ =	swait.ge [sflag:s21], $0x2000  }
0x83: {  	s13 =	rddreg [dreg:$0x8];
	[sflag:s21] =	ssyncset.done $0x0  }
0x84: {  	[sflag:s21] =	ssyncadd.s32 $0xFFFFE000;
	s13 =	sadd.s32 s15, s13  }
0x85: {  	[hbm4b:s13+s3] =	stream.linear.scatter [tilespmem:s20], [sflag:$0xB], $0x2000, $0x38;
	[tilespmem:$0x16400] =	vst v63  }
0x86: {  	_ =	swait.ge [sflag:s23], $0x2000  }
0x87: {  	[sflag:s23] =	ssyncset.done $0x0  }
0x88: {  	s13 =	sadd.s32 $0x480, s2;
	[sflag:s23] =	ssyncadd.s32 $0xFFFFE000  }
0x89: {  	[tilespmem:s18], [sflag:$0x2] =	stream.indirect.gather [hbm4b:s4+s16], $0x40, s13, s16, $0xb8;
	[tilespmem:$0x16400] =	vst v63  }
0x8a: {  	_ =	swait.ge [sflag:s25], $0x2000  }
0x8b: {  	s13 =	rddreg [dreg:$0x7];
	[sflag:s25] =	ssyncset.done $0x0  }
0x8c: {  	[sflag:s25] =	ssyncadd.s32 $0xFFFFE000;
	s13 =	sadd.s32 s15, s13  }
0x8d: {  	[hbm4b:s13+s3] =	stream.linear.scatter [tilespmem:s22], [sflag:$0xC], $0x2000, $0x38;
	[tilespmem:$0x16400] =	vst v63  }
0x8e: {  	_ =	swait.ge [sflag:s29], $0x2000  }
0x8f: {  	[sflag:s29] =	ssyncset.done $0x0  }
0x90: {  	s13 =	sadd.s32 $0x500, s2;
	[sflag:s29] =	ssyncadd.s32 $0xFFFFE000  }
0x91: {  	[tilespmem:s20], [sflag:$0x3] =	stream.indirect.gather [hbm4b:s4+s16], $0x40, s13, s16, $0xb8;
	[tilespmem:$0x16400] =	vst v63  }
0x92: {  	_ =	swait.ge [sflag:s1], $0x2000  }
0x93: {  	s13 =	rddreg [dreg:$0x6];
	[sflag:s1] =	ssyncset.done $0x0  }
0x94: {  	[sflag:s1] =	ssyncadd.s32 $0xFFFFE000;
	s13 =	sadd.s32 s15, s13  }
0x95: {  	[hbm4b:s13+s3] =	stream.linear.scatter [tilespmem:s24], [sflag:$0xD], $0x2000, $0x38;
	[tilespmem:$0x16400] =	vst v63  }
0x96: {  	_ =	swait.ge [sflag:s6], $0x2000  }
0x97: {  	[sflag:s6] =	ssyncset.done $0x0  }
0x98: {  	s13 =	sadd.s32 $0x580, s2;
	[sflag:s6] =	ssyncadd.s32 $0xFFFFE000  }
0x99: {  	[tilespmem:s22], [sflag:$0x4] =	stream.indirect.gather [hbm4b:s4+s16], $0x40, s13, s16, $0xb8;
	[tilespmem:$0x16400] =	vst v63  }
0x9a: {  	_ =	swait.ge [sflag:s7], $0x2000  }
0x9b: {  	s13 =	rddreg [dreg:$0x5];
	[sflag:s7] =	ssyncset.done $0x0  }
0x9c: {  	[sflag:s7] =	ssyncadd.s32 $0xFFFFE000;
	s13 =	sadd.s32 s15, s13  }
0x9d: {  	[hbm4b:s13+s3] =	stream.linear.scatter [tilespmem:s26], [sflag:$0xE], $0x2000, $0x38;
	[tilespmem:$0x16400] =	vst v63  }
0x9e: {  	_ =	swait.ge [sflag:s8], $0x2000  }
0x9f: {  	[sflag:s8] =	ssyncset.done $0x0  }
0xa0: {  	s13 =	sadd.s32 $0x600, s2;
	[sflag:s8] =	ssyncadd.s32 $0xFFFFE000  }
0xa1: {  	[tilespmem:s24], [sflag:$0x5] =	stream.indirect.gather [hbm4b:s4+s16], $0x40, s13, s16, $0xb8;
	[tilespmem:$0x16400] =	vst v63  }
0xa2: {  	_ =	swait.ge [sflag:s5], $0x2000  }
0xa3: {  	s13 =	rddreg [dreg:$0x4];
	[sflag:s5] =	ssyncset.done $0x0  }
0xa4: {  	[sflag:s5] =	ssyncadd.s32 $0xFFFFE000;
	s13 =	sadd.s32 s15, s13  }
0xa5: {  	[hbm4b:s13+s3] =	stream.linear.scatter [tilespmem:s30], [sflag:$0xF], $0x2000, $0x38;
	[tilespmem:$0x16400] =	vst v63  }
0xa6: {  	_ =	swait.ge [sflag:s9], $0x2000  }
0xa7: {  	[sflag:s9] =	ssyncset.done $0x0  }
0xa8: {  	s13 =	sadd.s32 $0x680, s2;
	[sflag:s9] =	ssyncadd.s32 $0xFFFFE000  }
0xa9: {  	[tilespmem:s26], [sflag:$0x6] =	stream.indirect.gather [hbm4b:s4+s16], $0x40, s13, s16, $0xb8;
	[tilespmem:$0x16400] =	vst v63  }
0xaa: {  	_ =	swait.ge [sflag:s10], $0x2000  }
0xab: {  	s13 =	rddreg [dreg:$0x3];
	[sflag:s10] =	ssyncset.done $0x0  }
0xac: {  	[sflag:s10] =	ssyncadd.s32 $0xFFFFE000;
	s13 =	sadd.s32 s15, s13  }
0xad: {  	[hbm4b:s13+s3] =	stream.linear.scatter [tilespmem:s0], [sflag:$0x10], $0x2000, $0x38;
	[tilespmem:$0x16400] =	vst v63  }
0xae: {  	_ =	swait.ge [sflag:s11], $0x2000  }
0xaf: {  	[sflag:s11] =	ssyncset.done $0x0  }
0xb0: {  	s13 =	sadd.s32 $0x700, s2;
	[sflag:s11] =	ssyncadd.s32 $0xFFFFE000  }
0xb1: {  	[tilespmem:s30], [sflag:$0x7] =	stream.indirect.gather [hbm4b:s4+s16], $0x40, s13, s16, $0xb8;
	[tilespmem:$0x16400] =	vst v63  }
0xb2: {  	_ =	swait.ge [sflag:s28], $0x2000  }
0xb3: {  	s13 =	rddreg [dreg:$0xa];
	[sflag:s28] =	ssyncset.done $0x0  }
0xb4: {  	[sflag:s28] =	ssyncadd.s32 $0xFFFFE000;
	s13 =	sadd.s32 s15, s13  }
0xb5: {  	[hbm4b:s13+s3] =	stream.linear.scatter [tilespmem:s17], [sflag:$0x9], $0x2000, $0x38;
	[tilespmem:$0x16400] =	vst v63  }
0xb6: {  	_ =	swait.ge [sflag:s12], $0x2000  }
0xb7: {  	p0 =	sne.s32 s14, $0x17000;
	[sflag:s12] =	ssyncset.done $0x0  }
.Ltmp0:
0xb8: {  	s2 =	sadd.s32 $0x780, s2;
	[sflag:s12] =	ssyncadd.s32 $0xFFFFE000;
	(pc) =	sbr.rel @p0 .LBB2_2-.Ltmp0, $4  }
0xb9: {  	[tilespmem:s0], [sflag:$0x8] =	stream.indirect.gather [hbm4b:s4+s16], $0x40, s2, s16, $0xb8;
	[tilespmem:$0x16400] =	vst v63  }
0xba: {  	_ =	swait.ge [sflag:s31], $0x2000  }
0xbb: {  	s14 =	sadd.s32 $0x1000, s14;
	[sflag:s31] =	ssyncset.done $0x0;
	s13 =	rddreg [dreg:$0x9]  }
0xbc: {  	[sflag:s31] =	ssyncadd.s32 $0xFFFFE000;
	s2 =	sadd.s32 s15, s13;
	s15 =	sadd.s32 $0x2000, s15  }
0xbd: {  	[hbm4b:s2+s3] =	stream.linear.scatter [tilespmem:s18], [sflag:$0xA], $0x2000, $0x38;
	[tilespmem:$0x16400] =	vst v63  }
0xbe: {  	_ =	swait.ge [sflag:s21], $0x2000  }
0xbf: {  	[sflag:s21] =	ssyncset.done $0x0  }
0xc0: {  	s15 =	rddreg [dreg:$0xe];
	[sflag:s21] =	ssyncadd.s32 $0xFFFFE000  }
0xc1: {  	[hbm4b:s15+s3] =	stream.linear.scatter [tilespmem:s20], [sflag:$0xB], $0x2000, $0x38;
	[tilespmem:$0x16400] =	vst v63  }
0xc2: {  	_ =	swait.ge [sflag:s25], $0x2000  }
0xc3: {  	[sflag:s25] =	ssyncset.done $0x0  }
0xc4: {  	s13 =	rddreg [dreg:$0xf];
	[sflag:s25] =	ssyncadd.s32 $0xFFFFE000  }
0xc5: {  	[hbm4b:s13+s3] =	stream.linear.scatter [tilespmem:s22], [sflag:$0xC], $0x2000, $0x38;
	[tilespmem:$0x16400] =	vst v63  }
0xc6: {  	_ =	swait.ge [sflag:s1], $0x2000  }
0xc7: {  	[sflag:s1] =	ssyncset.done $0x0  }
0xc8: {  	s14 =	rddreg [dreg:$0x10];
	[sflag:s1] =	ssyncadd.s32 $0xFFFFE000  }
0xc9: {  	[hbm4b:s14+s3] =	stream.linear.scatter [tilespmem:s24], [sflag:$0xD], $0x2000, $0x38;
	[tilespmem:$0x16400] =	vst v63  }
0xca: {  	_ =	swait.ge [sflag:s7], $0x2000  }
0xcb: {  	[sflag:s7] =	ssyncset.done $0x0  }
0xcc: {  	s15 =	rddreg [dreg:$0x11];
	[sflag:s7] =	ssyncadd.s32 $0xFFFFE000  }
0xcd: {  	[hbm4b:s15+s3] =	stream.linear.scatter [tilespmem:s26], [sflag:$0xE], $0x2000, $0x38;
	[tilespmem:$0x16400] =	vst v63  }
0xce: {  	_ =	swait.ge [sflag:s5], $0x2000  }
0xcf: {  	[sflag:s5] =	ssyncset.done $0x0  }
0xd0: {  	s13 =	rddreg [dreg:$0x12];
	[sflag:s5] =	ssyncadd.s32 $0xFFFFE000  }
0xd1: {  	[hbm4b:s13+s3] =	stream.linear.scatter [tilespmem:s30], [sflag:$0xF], $0x2000, $0x38;
	[tilespmem:$0x16400] =	vst v63  }
0xd2: {  	_ =	swait.ge [sflag:s10], $0x2000  }
0xd3: {  	[sflag:s10] =	ssyncset.done $0x0  }
0xd4: {  	s14 =	rddreg [dreg:$0x13];
	[sflag:s10] =	ssyncadd.s32 $0xFFFFE000  }
0xd5: {  	[hbm4b:s14+s3] =	stream.linear.scatter [tilespmem:s0], [sflag:$0x10], $0x2000, $0x38;
	[tilespmem:$0x16400] =	vst v63  }
0xd6: {  	_ =	swait.ge [sflag:s19], $0x2000  }
0xd7: {  	[sflag:s19] =	ssyncset.done $0x0  }
0xd8: {  	[sflag:s19] =	ssyncadd.s32 $0xFFFFE000  }
0xd9: {  	_ =	swait.ge [sflag:s23], $0x2000  }
0xda: {  	[sflag:s23] =	ssyncset.done $0x0  }
0xdb: {  	[sflag:s23] =	ssyncadd.s32 $0xFFFFE000  }
0xdc: {  	_ =	swait.ge [sflag:s29], $0x2000  }
0xdd: {  	[sflag:s29] =	ssyncset.done $0x0  }
0xde: {  	[sflag:s29] =	ssyncadd.s32 $0xFFFFE000  }
0xdf: {  	_ =	swait.ge [sflag:s6], $0x2000  }
0xe0: {  	[sflag:s6] =	ssyncset.done $0x0  }
0xe1: {  	[sflag:s6] =	ssyncadd.s32 $0xFFFFE000  }
0xe2: {  	_ =	swait.ge [sflag:s8], $0x2000  }
0xe3: {  	[sflag:s8] =	ssyncset.done $0x0  }
0xe4: {  	[sflag:s8] =	ssyncadd.s32 $0xFFFFE000  }
0xe5: {  	_ =	swait.ge [sflag:s9], $0x2000  }
0xe6: {  	[sflag:s9] =	ssyncset.done $0x0  }
0xe7: {  	[sflag:s9] =	ssyncadd.s32 $0xFFFFE000  }
0xe8: {  	_ =	swait.ge [sflag:s11], $0x2000  }
0xe9: {  	[sflag:s11] =	ssyncset.done $0x0  }
0xea: {  	[sflag:s11] =	ssyncadd.s32 $0xFFFFE000  }
0xeb: {  	_ =	swait.ge [sflag:s12], $0x2000  }
0xec: {  	s13 =	rddreg [dreg:$0x15]  }
0xed: {  	s15 =	rddreg [dreg:$0x14];
	s13 =	sadd.s32 $0x1, s13  }
0xee: {  	p0 =	sne.s32 s13, s15  }
.Ltmp1:
0xef: {  	_ = 	snop;
	(pc) =	sbr.rel @p0 .LBB2_1-.Ltmp1, $3  }
0xf0: {  	_ =	sdelay $0x1  }
0xf1: {  	[sflag:s12] =	ssyncset.done $0x0  }
0xf2: {  	[sflag:s12] =	ssyncadd.s32 $0xFFFFE000  }
0xf3: {  	_ =	sfence.sel $0x180000  }
0xf4: {  	[bflag:$0x0] =	sbarrier.arrive $0xFFFF  }
0xf5: {  	_ =	strace $0x90000047  }
0xf6: {  	s0 =	stileid.u32;
	[bflag:$0x2] =	sbarrier.arrive $0xFFFF  }
0xf7: {  	p0 =	sne.s32 s0, $0x0;
	s0 =	rddreg [dreg:$0x2]  }
0xf8: {  	s0 =	sadd.s32 @!p0 $0x100000, s0  }
0xf9: {  	[sflag:s0] =	ssyncadd.tile.s32 @!p0 $0x1;
	_ =	shalt  }
.Lfunc_end2:
_tile_overlayer_lowered:
.L_overlay_start_2:
0xfa: {  	(tag) =	ssettag $0x2  }
0xfb: {  	s0 =	rddreg [dreg:$0x0];
	s2 =	stileid.u32  }
0xfc: {  	s1 =	rddreg [dreg:$0x1];
	p0 =	sne.s32 s2, $0x0  }
0xfd: {  	s3 =	rddreg [dreg:$0x2];
	[bflag:$0x3] =	sbarrier.arrive $0xFFFF;
	s2 =	simm.s32 @!p0 $0x1C11  }
0xfe: {  	[timem:s3], [sflag:s2] =	dma.local @!p0 [hbm:s0], s1  }
0xff: {  	s0 =	simm.s32 @!p0 $0x11  }
0x100: {  	_ =	swait.ge @!p0 [sflag:s0], s1  }
0x101: {  	s1 =	ssub.s32 @!p0 $0x0, s1;
	[sflag:s0] =	ssyncset.done @!p0 $0x0  }
0x102: {  	[sflag:s0] =	ssyncadd.s32 @!p0 s1  }
0x103: {  	[bflag:$0x3] =	sbarrier.arrive $0xFFFF  }
0x104: {  	_ =	shalt  }

// kernel: sparse-core-data-format-call.cloned.1.call-start
scs
called_computation_lowered:
.L_overlay_start_0:
0x0: {  	s2 =	sld [smem:$0x3FD9]  }
0x1: {  	s3 =	sld [smem:$0x3FFE];
	_ =	sdelay $0x1  }
0x2: {  	s1 =	srdreg.scid  }
0x3: {  	s0 =	sand.u32 $0x1, s1  }
0x4: {  	s18 =	sshll.u32 s0, $0xA;
	s2 =	sadd.s32 s3, s2  }
0x5: {  	s2 =	sadd.s32 s2, s18  }
0x6: {  	[smem:$0x3FC6] =	sst s2  }
0x7: {  	_ = 	snop  }
0x8: {  	s2 =	sld [smem:$0x3FD0];
	(tm) =	ssettm $0x1  }
0x9: {  	s19 =	sld [smem:$0x3FFB];
	_ =	sdelay $0x3  }
0xa: {  	_ =	strace s19  }
0xb: {  	s3 =	sld [smem:$0x3FFC];
	_ =	sdelay $0x3  }
0xc: {  	_ =	strace s3  }
0xd: {  	s3 =	sld [smem:$0x3FFD];
	_ =	sdelay $0x3  }
0xe: {  	_ =	strace s3  }
0xf: {  	_ =	strace $0x8FFFFFFF  }
0x10: {  	s20 =	sld [smem:$0x3FDB];
	_ =	sdelay $0x1  }
0x11: {  	s4 =	simm.s32 $_scs_section_size  }
0x12: {  	s5 =	simm.s32 $_size__tile_overlayer_lowered;
	s6 =	simm.s32 $_tile_overlayer_lowered  }
0x13: {  	s23 =	simm.s32 $0x1BFF;
	s22 =	sshll.u32 s6, $0x1;
	s3 =	sadd.s32 s4, s20  }
0x14: {  	s7 =	simm.s32 $0x0;
	s21 =	sshll.u32 s5, $0x1;
	s5 =	sadd.s32 s22, s3  }
0x15: {  	[timem:s7], [sflag:s23] =	dma.local [hbm:s5], s21  }
0x16: {  	_ =	swait.ge [sflag:s23], s21  }
0x17: {  	s4 =	ssub.s32 $0x0, s21;
	[sflag:s23] =	ssyncset.done $0x0  }
0x18: {  	[sflag:s23] =	ssyncadd.s32 s4;
	_ =	sdelay $0x1  }
0x19: {  	s24 =	simm.s32 $0x1B8B  }
0x1a: {  	_ =	swait.ge [sflag:s24], $0x1  }
0x1b: {  	[sflag:s24] =	ssyncset.done $0x0  }
0x1c: {  	s26 =	simm.s32 $0x1B8E;
	s25 =	sld [smem:$0x3FFE];
	[sflag:s24] =	ssyncadd.s32 $0xFFFFFFFF  }
0x1d: {  	s27 =	simm.s32 $execute0_lowered;
	[smem:$0x3FD2] =	sst s26  }
0x1e: {  	s5 =	sshll.u32 s27, $0x1;
	_ =	strace $0x80000049;
	[dreg:$0x1] =	wrdreg $0xFFFFFFFF  }
0x1f: {  	s28 =	simm.s32 $_size_execute0_lowered;
	s3 =	sadd.s32 s3, s5;
	[dreg:$0x0] =	wrdreg $0x0  }
0x20: {  	s5 =	sshll.u32 s28, $0x1;
	[dreg:$0x2] =	wrdreg s3  }
0x21: {  	[dreg:$0x3] =	wrdreg s5  }
0x22: {  	[dreg:$0x4] =	wrdreg $0xC0  }
0x23: {  	_ =	task [dreg:s7], $0x5FFFF  }
0x24: {  	[dreg:$0x1] =	wrdreg $0xFFFFFFFF  }
0x25: {  	[dreg:$0x0] =	wrdreg $0x60  }
0x26: {  	[dreg:$0x2] =	wrdreg s25  }
0x27: {  	[dreg:$0x3] =	wrdreg s2  }
0x28: {  	[dreg:$0x4] =	wrdreg $0x9  }
0x29: {  	_ =	task.clear_ibuf [dreg:s7], $0x5FFFF;
	_ =	strace $0x90000049  }
0x2a: {  	s29 =	simm.s32 $0x9;
	_ =	strace $0x8000004B  }
0x2b: {  	_ =	swait.ge [sflag:s29], $0x1  }
0x2c: {  	[sflag:s29] =	ssyncadd.s32 $0xFFFFFFFF  }
0x2d: {  	_ =	strace $0x9000004B  }
0x2e: {  	_ =	sfence  }
0x2f: {  	s30 =	sld [smem:$0x0];
	_ =	sdelay $0x2  }
0x30: {  	s31 =	sshll.u32 s1, $0xD;
	s1 =	sshrl.u32 s1, $0x2  }
0x31: {  	s3 =	sand.u32 $0x4000, s31;
	s1 =	sadd.s32 s1, s30  }
0x32: {  	s0 =	sor.u32 s3, s0;
	s1 =	sshll.u32 s1, $0x11  }
0x33: {  	s0 =	sor.u32 s1, s0  }
0x34: {  	s0 =	sadd.s32 $0x8F2B, s0  }
0x35: {  	[sflag:s0] =	ssyncadd.remote.s32 $0x1  }
0x36: {  	_ =	sfence.sel $0xFFFF  }
0x37: {  	[dreg:$0x0] =	wrdreg $0xFFFFFFFF;
	(pc) =	sbr.abs _section_cstart, $3  }
0x38: {  	[dreg:$0x1] =	wrdreg $0xFFFFFFFF  }
0x39: {  	_ =	task.clear_ibuf [dreg:s7], $0x2FFFF;
	_ =	strace $0x9FFFFFFF  }
0x3a: {  	(tm) =	ssettm $0x7FFFFFFF  }
0x3b: {  	_ =	shalt  }
tec
execute0_lowered:
.L_overlay_start_1:
0x0: {  	(tag) =	ssettag $0x1  }
0x1: {  	s0 =	srdreg.scid  }
0x2: {  	s1 =	sshll.u32 s0, $0x4  }
0x3: {  	s0 =	stileid.u32;
	s1 =	sand.u32 $0x10, s1  }
0x4: {  	s1 =	sor.u32 s0, s1  }
0x5: {  	s6 =	rddreg [dreg:$0x0];
	s4 =	simm.s32 $0x1;
	s2 =	sshll.u32 s1, $0x7  }
0x6: {  	s7 =	simm.s32 $0x2;
	s12 =	simm.s32 $0x0;
	s1 =	ssub.s32 $0x4000, s2  }
0x7: {  	s8 =	simm.s32 $0x20000;
	s13 =	simm.s32 $0x0;
	s3 =	sand.u32 $0xF80, s1  }
0x8: {  	s9 =	simm.s32 $0x0;
	s5 =	sshrl.u32 s1, $0xC;
	p0 =	sne.s32 s3, $0x0  }
.Ltmp0:
0x9: {  	s1 =	rddreg [dreg:$0x2];
	s4 =	simm.s32 @!p0 $0x0;
	(pc) =	sbr.rel .LBB1_1-.Ltmp0, $4  }
0xa: {  	s11 =	simm.s32 $0x0;
	s3 =	rddreg [dreg:$0x1];
	s5 =	sadd.s32 s4, s5  }
0xb: {  	_ =	strace $0x8000004A;
	s4 =	simm.s32 $0x1;
	s5 =	smul.u32 $0x32, s5  }
0xc: {  	s6 =	sadd.s32 $0xA00, s6;
	s10 =	smov.u32 s2;
	[sflag:s4] =	ssyncpa.u1 $0x0  }
0xd: {  	p0 =	por $0x0, $0x0;
	[sflag:s7] =	ssyncpa.u1 $0x0;
	s7 =	sor.u32 $0x1, s5  }
.LBB1_4:
0xe: {  	s16 =	sshll.u32 s13, $0x3;
	s17 =	sand.u32 $0x78, s13  }
0xf: {  	s30 =	sand.u32 $0x1F800, s13;
	s12 =	sshll.u32 s12, $0x11;
	s16 =	sand.u32 $0x3C00, s16  }
0x10: {  	[tilespmem:s15+$0x810 ss:$0x81] =	vst.msk $0xffff, v2;
	s31 =	sand.u32 $0x7, s13;
	s16 =	sor.u32 s17, s16;
	s17 =	sadd.s32 s3, s30  }
0x11: {  	[tilespmem:s15+$0x1020 ss:$0x81] =	vst.msk $0xffff, v0;
	s13 =	sshll.u32 s31, $0x12;
	s12 =	sadd.s32 s12, s17;
	s16 =	sshrl.u32 s16, $0x3  }
0x12: {  	[tilespmem:s15+$0x0 ss:$0x81] =	vst.msk $0xffff, v1;
	s13 =	sor.u32 $0x400, s13;
	s12 =	sadd.s32 s16, s12  }
0x13: {  	[hbm4b:s12+s13] =	stream.strided.scatter [tilespmem:s14], [sflag:$0x2], $0x2000, s8, s13, $0x20;
	[tilespmem:$0x8080] =	vst v63  }
.LBB1_5:
0x14: {  	s14 =	sadd.s32 $0x1, s9  }
0x15: {  	s12 =	sadd.s32 $0x1000, s10;
	s16 =	smov.u32 s10;
	p2 =	sgt.s32 s14, $0x31  }
0x16: {  	s16 =	smov.u32 @p2 s12  }
0x17: {  	s14 =	simm.s32 @p2 $0x0;
	p2 =	sgt.s32 s16, $0x3FFF  }
0x18: {  	s16 =	smov.u32 @p2 s2;
	p2 =	sne.s32 s11, s7  }
.Ltmp1:
0x19: {  	p1 =	slt.u32 s11, $0x2;
	(pc) =	sbr.rel @!p2 .LBB1_6-.Ltmp1, $4  }
0x1a: {  	s15 =	simm.s32 @!p1 $0x2  }
0x1b: {  	s13 =	smov.u32 s10;
	p0 =	por !p0, !p0;
	_ =	swait.ge @!p1 [sflag:s15], $0x2000  }
0x1c: {  	s12 =	smov.u32 s9;
	[sflag:s15] =	ssyncset.done @!p1 $0x0;
	s9 =	smov.u32 s14  }
0x1d: {  	s11 =	sadd.s32 $0x1, s11;
	[sflag:s15] =	ssyncadd.s32 @!p1 $0xFFFFE000;
	s10 =	smov.u32 s16  }
.LBB1_1:
0x1e: {  	p1 =	sge.u32 s11, s5  }
0x1f: {  	s14 =	sand.u32 @!p1 $0x1FFFFFF, s9  }
0x20: {  	s15 =	smulhi.u32 @!p1 $0x4924925, s14;
	_ =	sdelay $0x1  }
0x21: {  	s15 =	smul.u32 @!p1 $0x38, s15  }
0x22: {  	s16 =	sxor.u32 @!p1 $0xFFFFFFFF, s11;
	s17 =	smul.u32 @!p1 $0x380, s10  }
0x23: {  	s31 =	sadd.s32 $0xFFFFFFFF, s11;
	s16 =	sshll.u32 @!p1 s16, $0xD;
	s14 =	ssub.s32 @!p1 s14, s15  }
0x24: {  	s15 =	sand.u32 @!p1 $0x2000, s16;
	s16 =	sadd.s32 @!p1 s6, s17;
	s14 =	sshll.u32 @!p1 s14, $0x4  }
0x25: {  	s17 =	simm.s32 @!p1 $0x1C00;
	s14 =	sadd.s32 @!p1 s14, s16;
	s16 =	simm.s32 @!p1 $0x40  }
0x26: {  	[tilespmem:s15], [sflag:$0x1] =	stream.strided.gather @!p1 [hbm4b:s14+s16], $0x2000, s17, s16, $0x38;
	[tilespmem:$0x8080] =	vst v63  }
0x27: {  	p1 =	sge.u32 s31, s5  }
.Ltmp2:
0x28: {  	_ = 	snop;
	(pc) =	sbr.rel @p1 .LBB1_5-.Ltmp2, $1  }
0x29: {  	_ =	sdelay $0x3  }
0x2a: {  	s14 =	simm.s32 $0x1  }
0x2b: {  	_ =	swait.ge [sflag:s4], $0x2000;
	s14 =	simm.s32 @!p0 $0x0  }
0x2c: {  	[sflag:s4] =	ssyncset.done $0x0;
	s15 =	sshll.u32 s14, $0xD  }
0x2d: {  	[sflag:s4] =	ssyncadd.s32 $0xFFFFE000;
	s18 =	sor.u32 $0x20, s15  }
0x2e: {  	s14 =	smul.u32 $0x8100, s14;
	v3 =	vld [tilespmem:s18+$0x10]  }
0x2f: {  	s30 =	sand.u32 $0x1, s11;
	v2 =	vld [tilespmem:s18+$0xFFFFFFF0]  }
0x30: {  	s15 =	smul.u32 $0x8100, s30;
	s14 =	sshrl.u32 s14, $0x2;
	v0 =	vld [tilespmem:s18+$0x0]  }
0x31: {  	v1 =	vld [tilespmem:s18+$0xFFFFFFE0];
	s16 =	sor.u32 $0x4000, s14  }
0x32: {  	s31 =	sshrl.u32 s15, $0x2;
	s15 =	sadd.s32 $0x0, s16  }
0x33: {  	s17 =	simm.s32 $0x4;
	s18 =	sadd.s32 $0x40, s18;
	s14 =	sor.u32 $0x4000, s31;
	[tilespmem:s15+$0x1830 ss:$0x81] =	vst.msk $0xffff, v3  }
.LBB1_3:
0x34: {  	v3 =	vld [tilespmem:s18+$0x10];
	p1 =	sne.s32 s17, $0x1FC;
	[tilespmem:s15+$0x810 ss:$0x81] =	vst.msk $0xffff, v2;
	s19 =	smov.u32 s17;
	s17 =	sadd.s32 $0x4, s17  }
.Ltmp3:
0x35: {  	v2 =	vld [tilespmem:s18+$0xFFFFFFF0];
	[tilespmem:s15+$0x1020 ss:$0x81] =	vst.msk $0xffff, v0;
	(pc) =	sbr.rel @p1 .LBB1_3-.Ltmp3, $4  }
0x36: {  	v0 =	vld [tilespmem:s18+$0x0];
	[tilespmem:s15+$0x0 ss:$0x81] =	vst.msk $0xffff, v1  }
0x37: {  	s15 =	sshra.s32 s19, $0x2;
	v1 =	vld [tilespmem:s18+$0xFFFFFFE0]  }
0x38: {  	s15 =	sadd.s32 s15, s16  }
0x39: {  	s18 =	sadd.s32 $0x40, s18;
	[tilespmem:s15+$0x1830 ss:$0x81] =	vst.msk $0xffff, v3  }
.Ltmp4:
0x3a: {  	_ = 	snop;
	(pc) =	sbr.rel .LBB1_4-.Ltmp4, $1  }
0x3b: {  	_ =	sdelay $0x3  }
.LBB1_6:
0x3c: {  	_ =	sfence.sel $0x180000  }
0x3d: {  	s2 =	simm.s32 $0x1;
	[bflag:$0x0] =	sbarrier.arrive $0xFFFF  }
0x3e: {  	s31 =	simm.s32 $0x2;
	[sflag:s2] =	ssyncpa.u1 $0x1  }
0x3f: {  	[sflag:s31] =	ssyncpa.u1 $0x1  }
0x40: {  	p0 =	sne.s32 s0, $0x0;
	_ =	strace $0x9000004A  }
0x41: {  	s0 =	sadd.s32 @!p0 $0x100000, s1;
	[bflag:$0x2] =	sbarrier.arrive $0xFFFF  }
0x42: {  	[sflag:s0] =	ssyncadd.tile.s32 @!p0 $0x1;
	_ =	shalt  }
.Lfunc_end1:
_tile_overlayer_lowered:
.L_overlay_start_2:
0x43: {  	(tag) =	ssettag $0x2  }
0x44: {  	s0 =	rddreg [dreg:$0x0];
	s2 =	stileid.u32  }
0x45: {  	s1 =	rddreg [dreg:$0x1];
	p0 =	sne.s32 s2, $0x0  }
0x46: {  	s3 =	rddreg [dreg:$0x2];
	[bflag:$0x3] =	sbarrier.arrive $0xFFFF;
	s2 =	simm.s32 @!p0 $0x1C01  }
0x47: {  	[timem:s3], [sflag:s2] =	dma.local @!p0 [hbm:s0], s1  }
0x48: {  	s0 =	simm.s32 @!p0 $0x1  }
0x49: {  	_ =	swait.ge @!p0 [sflag:s0], s1  }
0x4a: {  	s1 =	ssub.s32 @!p0 $0x0, s1;
	[sflag:s0] =	ssyncset.done @!p0 $0x0  }
0x4b: {  	[sflag:s0] =	ssyncadd.s32 @!p0 s1  }
0x4c: {  	[bflag:$0x3] =	sbarrier.arrive $0xFFFF  }
0x4d: {  	_ =	shalt  }

</sc_bundles>
